<compile_context>
chip_gen: v7x
topology: tpu7x:2x2x1
jax: 0.10.2.dev20260603
libtpu: 0.0.44.dev20260713+nightly
codegen_flags: <defaults>
</compile_context>

<pallas_src>
import functools

import jax
import jax.numpy as jnp
from jax import lax
from jax.experimental import pallas as pl
from jax.experimental.pallas import tpu as pltpu
from jax.experimental.pallas import tpu_sc as plsc

_N_STATES = 1000000
_N_ACT = 16
_BATCH = 16384

_NC = 2
_NS = 16
_NW = _NC * _NS
_CHUNK = 128
_CPW = _BATCH // (_NW * _CHUNK)
_GPC = _CHUNK // 16


def _tabular_body(table_hbm, idx_hbm, out_hbm, idx_v, rows_v, trans_v, sem):
    wid = lax.axis_index("s") * _NC + lax.axis_index("c")
    base = wid * _CPW

    pltpu.sync_copy(idx_hbm.at[pl.ds(base, _CPW)], idx_v)
    copies = [
        pltpu.async_copy(
            table_hbm.at[idx_v.at[j]],
            rows_v.at[pl.ds(j * _CHUNK, _CHUNK)],
            sem.at[j],
        )
        for j in range(_CPW)
    ]

    lanes = lax.iota(jnp.int32, 16)

    for c in range(_CPW):
        copies[c].wait()

        def group(g8, carry, _c=c):
            rvec = lanes + _c * _CHUNK + g8 * 16
            cols = []
            for a in range(_N_ACT):
                avec = jnp.full((16,), a, jnp.int32)
                v = plsc.load_gather(rows_v, [rvec, avec])
                cols.append(jnp.exp(v))
            s = cols[0]
            for a in range(1, _N_ACT):
                s = s + cols[a]
            rinv = 1.0 / s
            for a in range(_N_ACT):
                trans_v[a // 8, _c, a % 8, pl.ds(g8 * 16, 16)] = cols[a] * rinv
            return carry

        lax.fori_loop(0, _GPC, group, 0)

    for jt in range(2):
        pltpu.sync_copy(
            trans_v.at[jt], out_hbm.at[jt, pl.ds(base, _CPW)]
        )


def kernel(x, m):
    table = jnp.reshape(m, (_N_STATES, _N_ACT))
    idx = jnp.reshape(x.astype(jnp.int32), (_NW * _CPW, _CHUNK))

    mesh = plsc.VectorSubcoreMesh(core_axis_name="c", subcore_axis_name="s")
    run = functools.partial(
        pl.kernel,
        mesh=mesh,
        out_type=jax.ShapeDtypeStruct(
            (2, _NW * _CPW, 8, _CHUNK), jnp.float32
        ),
        scratch_types=[
            pltpu.VMEM((_CPW, _CHUNK), jnp.int32),
            pltpu.VMEM((_CPW * _CHUNK, _N_ACT), jnp.float32),
            pltpu.VMEM((2, _CPW, 8, _CHUNK), jnp.float32),
            pltpu.SemaphoreType.DMA((_CPW,)),
        ],
        compiler_params=pltpu.CompilerParams(
            needs_layout_passes=False,
            use_tc_tiling_on_sc=False,
        ),
    )(_tabular_body)
    out4d = run(table, idx)
    return jnp.transpose(out4d, (1, 3, 0, 2)).reshape(_BATCH, _N_ACT)

# --- scband reference (transcript-rebuilt; emitter-appended) ---
"""Pipeline reference for scband-tabular-policy-90683939487794 (READ-ONLY COPY).

The authoritative reference and input builder live on the scoring server;
editing this copy changes nothing except your own understanding.
"""

import jax, jax.numpy as jnp
import numpy as np

N_STATES = 1000000
N_ACTIONS = 16
BATCH = 16384

def setup_inputs(seed: int = 0) -> dict:
    key = jax.random.key(seed)
    k1, k2 = jax.random.split(key)
    x = jax.random.randint(k1, (BATCH,), 0, N_STATES)
    # learned parameter: flat table m of shape [n_states * n_actions], uniform init like np.random.uniform
    m = jax.random.uniform(k2, (N_STATES * N_ACTIONS,), dtype=jnp.float32)
    return {"x": x, "m": m}

def reference(x, m):
    # Faithful translation of TabularPolicy.forward
    M = jnp.reshape(m, (N_STATES, N_ACTIONS))
    e = jnp.exp(M)
    tabular = e / jnp.sum(e, axis=1, keepdims=True)
    return tabular[x.astype(jnp.int32)]

if __name__ == "__main__":
    import jax
    _d = setup_inputs()
    print(jax.jit(kernel)(*tuple(_d.values())))

</pallas_src>

<mosaic_0001>
#map = affine_map<(d0, d1) -> (0, 0)>
#map1 = affine_map<(d0, d1) -> (0, 0, 0, 0)>
module attributes {stable_mosaic.version = 14 : i64} {
  func.func @_tabular_body(%arg0: i32, %arg1: i32, %arg2: memref<1000000x16xf32, #tpu.memory_space<hbm>>, %arg3: memref<128x128xi32, #tpu.memory_space<hbm>>, %arg4: memref<2x128x8x128xf32, #tpu.memory_space<hbm>>, %arg5: memref<4x128xi32, #tpu.memory_space<vmem>>, %arg6: memref<512x16xf32, #tpu.memory_space<vmem>>, %arg7: memref<2x4x8x128xf32, #tpu.memory_space<vmem>>, %arg8: memref<4x!tpu.dma_semaphore, #tpu.memory_space<semaphore_mem>>) attributes {dimension_semantics = [#tpu.dimension_semantics<core_parallel>, #tpu.dimension_semantics<subcore_parallel>], iteration_bounds = array<i64: 2, 16>, scalar_prefetch = 0 : i64, scratch_operands = 4 : i64, tpu.core_type = #tpu.core_type<sc_vector_subcore>, window_params = [{transform_indices = #map}, {transform_indices = #map}, {transform_indices = #map1}]} {
    %mul3A = arith.constant 2 : i32
    %mul3A_0 = arith.muli %arg1, %mul3A : i32
    %add3A = arith.addi %mul3A_0, %arg0 : i32
    %mul3A_1 = arith.constant 4 : i32
    %mul3A_2 = arith.muli %add3A, %mul3A_1 : i32
    "tpu.region"() ({
      %run_scoped3A_131 = tpu.sem_alloc : memref<!tpu.dma_semaphore, #tpu.memory_space<semaphore_mem>>
      %dma_start3A_132 = arith.constant 0 : i32
      %dma_start3A_133 = tpu.memref_slice %arg3[%mul3A_2, %dma_start3A_132] : memref<128x128xi32, #tpu.memory_space<hbm>> -> memref<4x128xi32, #tpu.memory_space<hbm>>
      %dma_start3A_134 = arith.constant 0 : i32
      %dma_start3A_135 = tpu.memref_slice %arg3[%mul3A_2, %dma_start3A_134] : memref<128x128xi32, #tpu.memory_space<hbm>> -> memref<4x128xi32, #tpu.memory_space<hbm>>
      tpu.enqueue_dma source(%dma_start3A_135 : memref<4x128xi32, #tpu.memory_space<hbm>>) target(%arg5 : memref<4x128xi32, #tpu.memory_space<vmem>>) target_semaphore(%run_scoped3A_131 : memref<!tpu.dma_semaphore, #tpu.memory_space<semaphore_mem>>)
      %dma_wait3A_136 = arith.constant 0 : i32
      %dma_wait3A_137 = tpu.memref_slice %arg3[%mul3A_2, %dma_wait3A_136] : memref<128x128xi32, #tpu.memory_space<hbm>> -> memref<4x128xi32, #tpu.memory_space<hbm>>
      %dma_wait3A_138 = arith.constant 0 : i32
      %dma_wait3A_139 = tpu.memref_slice %arg3[%mul3A_2, %dma_wait3A_138] : memref<128x128xi32, #tpu.memory_space<hbm>> -> memref<4x128xi32, #tpu.memory_space<hbm>>
      tpu.wait_dma2 semaphore(%run_scoped3A_131 : memref<!tpu.dma_semaphore, #tpu.memory_space<semaphore_mem>>) src(%dma_wait3A_139 : memref<4x128xi32, #tpu.memory_space<hbm>>) dst(%arg5 : memref<4x128xi32, #tpu.memory_space<vmem>>)
      tpu.yield
    }) : () -> ()
    %dma_start3A = arith.constant 0 : i32
    %dma_start3A_3 = arith.constant 0 : i32
    %dma_start3A_4 = arith.constant 0 : i32
    %dma_start3A_5 = arith.constant 0 : i32
    %dma_start3A_6 = tpu.memref_slice %arg6[%dma_start3A_4, %dma_start3A_5] : memref<512x16xf32, #tpu.memory_space<vmem>> -> memref<128x16xf32, #tpu.memory_space<vmem>>
    %dma_start3A_7 = arith.constant 0 : i32
    %dma_start3A_8 = tpu.memref_slice %arg5[%dma_start3A, %dma_start3A_7] : memref<4x128xi32, #tpu.memory_space<vmem>> -> memref<1x128xi32, #tpu.memory_space<vmem>>
    %dma_start3A_9 = tpu.memref_squeeze %dma_start3A_8 : memref<1x128xi32, #tpu.memory_space<vmem>> -> memref<128xi32, #tpu.memory_space<vmem>>
    %dma_start3A_10 = arith.constant 0 : i32
    %dma_start3A_11 = arith.constant 0 : i32
    %dma_start3A_12 = tpu.memref_slice %arg2[%dma_start3A_10, %dma_start3A_11] : memref<1000000x16xf32, #tpu.memory_space<hbm>> -> memref<1000000x16xf32, #tpu.memory_space<hbm>>
    %dma_start3A_13 = tpu.memref_slice %arg8[%dma_start3A_3] : memref<4x!tpu.dma_semaphore, #tpu.memory_space<semaphore_mem>> -> memref<1x!tpu.dma_semaphore, #tpu.memory_space<semaphore_mem>>
    %dma_start3A_14 = tpu.memref_squeeze %dma_start3A_13 : memref<1x!tpu.dma_semaphore, #tpu.memory_space<semaphore_mem>> -> memref<!tpu.dma_semaphore, #tpu.memory_space<semaphore_mem>>
    tpu.enqueue_indirect_dma source(%dma_start3A_12 : memref<1000000x16xf32, #tpu.memory_space<hbm>>) target(%dma_start3A_6 : memref<128x16xf32, #tpu.memory_space<vmem>>) offsets(%dma_start3A_9 : memref<128xi32, #tpu.memory_space<vmem>>) semaphore(%dma_start3A_14 : memref<!tpu.dma_semaphore, #tpu.memory_space<semaphore_mem>>)
    %dma_start3A_15 = arith.constant 1 : i32
    %dma_start3A_16 = arith.constant 1 : i32
    %dma_start3A_17 = arith.constant 128 : i32
    %dma_start3A_18 = arith.constant 0 : i32
    %dma_start3A_19 = tpu.memref_slice %arg6[%dma_start3A_17, %dma_start3A_18] : memref<512x16xf32, #tpu.memory_space<vmem>> -> memref<128x16xf32, #tpu.memory_space<vmem>>
    %dma_start3A_20 = arith.constant 0 : i32
    %dma_start3A_21 = tpu.memref_slice %arg5[%dma_start3A_15, %dma_start3A_20] : memref<4x128xi32, #tpu.memory_space<vmem>> -> memref<1x128xi32, #tpu.memory_space<vmem>>
    %dma_start3A_22 = tpu.memref_squeeze %dma_start3A_21 : memref<1x128xi32, #tpu.memory_space<vmem>> -> memref<128xi32, #tpu.memory_space<vmem>>
    %dma_start3A_23 = arith.constant 0 : i32
    %dma_start3A_24 = arith.constant 0 : i32
    %dma_start3A_25 = tpu.memref_slice %arg2[%dma_start3A_23, %dma_start3A_24] : memref<1000000x16xf32, #tpu.memory_space<hbm>> -> memref<1000000x16xf32, #tpu.memory_space<hbm>>
    %dma_start3A_26 = tpu.memref_slice %arg8[%dma_start3A_16] : memref<4x!tpu.dma_semaphore, #tpu.memory_space<semaphore_mem>> -> memref<1x!tpu.dma_semaphore, #tpu.memory_space<semaphore_mem>>
    %dma_start3A_27 = tpu.memref_squeeze %dma_start3A_26 : memref<1x!tpu.dma_semaphore, #tpu.memory_space<semaphore_mem>> -> memref<!tpu.dma_semaphore, #tpu.memory_space<semaphore_mem>>
    tpu.enqueue_indirect_dma source(%dma_start3A_25 : memref<1000000x16xf32, #tpu.memory_space<hbm>>) target(%dma_start3A_19 : memref<128x16xf32, #tpu.memory_space<vmem>>) offsets(%dma_start3A_22 : memref<128xi32, #tpu.memory_space<vmem>>) semaphore(%dma_start3A_27 : memref<!tpu.dma_semaphore, #tpu.memory_space<semaphore_mem>>)
    %dma_start3A_28 = arith.constant 2 : i32
    %dma_start3A_29 = arith.constant 2 : i32
    %dma_start3A_30 = arith.constant 256 : i32
    %dma_start3A_31 = arith.constant 0 : i32
    %dma_start3A_32 = tpu.memref_slice %arg6[%dma_start3A_30, %dma_start3A_31] : memref<512x16xf32, #tpu.memory_space<vmem>> -> memref<128x16xf32, #tpu.memory_space<vmem>>
    %dma_start3A_33 = arith.constant 0 : i32
    %dma_start3A_34 = tpu.memref_slice %arg5[%dma_start3A_28, %dma_start3A_33] : memref<4x128xi32, #tpu.memory_space<vmem>> -> memref<1x128xi32, #tpu.memory_space<vmem>>
    %dma_start3A_35 = tpu.memref_squeeze %dma_start3A_34 : memref<1x128xi32, #tpu.memory_space<vmem>> -> memref<128xi32, #tpu.memory_space<vmem>>
    %dma_start3A_36 = arith.constant 0 : i32
    %dma_start3A_37 = arith.constant 0 : i32
    %dma_start3A_38 = tpu.memref_slice %arg2[%dma_start3A_36, %dma_start3A_37] : memref<1000000x16xf32, #tpu.memory_space<hbm>> -> memref<1000000x16xf32, #tpu.memory_space<hbm>>
    %dma_start3A_39 = tpu.memref_slice %arg8[%dma_start3A_29] : memref<4x!tpu.dma_semaphore, #tpu.memory_space<semaphore_mem>> -> memref<1x!tpu.dma_semaphore, #tpu.memory_space<semaphore_mem>>
    %dma_start3A_40 = tpu.memref_squeeze %dma_start3A_39 : memref<1x!tpu.dma_semaphore, #tpu.memory_space<semaphore_mem>> -> memref<!tpu.dma_semaphore, #tpu.memory_space<semaphore_mem>>
    tpu.enqueue_indirect_dma source(%dma_start3A_38 : memref<1000000x16xf32, #tpu.memory_space<hbm>>) target(%dma_start3A_32 : memref<128x16xf32, #tpu.memory_space<vmem>>) offsets(%dma_start3A_35 : memref<128xi32, #tpu.memory_space<vmem>>) semaphore(%dma_start3A_40 : memref<!tpu.dma_semaphore, #tpu.memory_space<semaphore_mem>>)
    %dma_start3A_41 = arith.constant 3 : i32
    %dma_start3A_42 = arith.constant 3 : i32
    %dma_start3A_43 = arith.constant 384 : i32
    %dma_start3A_44 = arith.constant 0 : i32
    %dma_start3A_45 = tpu.memref_slice %arg6[%dma_start3A_43, %dma_start3A_44] : memref<512x16xf32, #tpu.memory_space<vmem>> -> memref<128x16xf32, #tpu.memory_space<vmem>>
    %dma_start3A_46 = arith.constant 0 : i32
    %dma_start3A_47 = tpu.memref_slice %arg5[%dma_start3A_41, %dma_start3A_46] : memref<4x128xi32, #tpu.memory_space<vmem>> -> memref<1x128xi32, #tpu.memory_space<vmem>>
    %dma_start3A_48 = tpu.memref_squeeze %dma_start3A_47 : memref<1x128xi32, #tpu.memory_space<vmem>> -> memref<128xi32, #tpu.memory_space<vmem>>
    %dma_start3A_49 = arith.constant 0 : i32
    %dma_start3A_50 = arith.constant 0 : i32
    %dma_start3A_51 = tpu.memref_slice %arg2[%dma_start3A_49, %dma_start3A_50] : memref<1000000x16xf32, #tpu.memory_space<hbm>> -> memref<1000000x16xf32, #tpu.memory_space<hbm>>
    %dma_start3A_52 = tpu.memref_slice %arg8[%dma_start3A_42] : memref<4x!tpu.dma_semaphore, #tpu.memory_space<semaphore_mem>> -> memref<1x!tpu.dma_semaphore, #tpu.memory_space<semaphore_mem>>
    %dma_start3A_53 = tpu.memref_squeeze %dma_start3A_52 : memref<1x!tpu.dma_semaphore, #tpu.memory_space<semaphore_mem>> -> memref<!tpu.dma_semaphore, #tpu.memory_space<semaphore_mem>>
    tpu.enqueue_indirect_dma source(%dma_start3A_51 : memref<1000000x16xf32, #tpu.memory_space<hbm>>) target(%dma_start3A_45 : memref<128x16xf32, #tpu.memory_space<vmem>>) offsets(%dma_start3A_48 : memref<128xi32, #tpu.memory_space<vmem>>) semaphore(%dma_start3A_53 : memref<!tpu.dma_semaphore, #tpu.memory_space<semaphore_mem>>)
    %iota3A = tpu.iota {dimensions = array<i32: 0>} : vector<16xi32>
    %dma_wait3A = arith.constant 0 : i32
    %dma_wait3A_54 = arith.constant 0 : i32
    %dma_wait3A_55 = arith.constant 0 : i32
    %dma_wait3A_56 = arith.constant 0 : i32
    %dma_wait3A_57 = tpu.memref_slice %arg6[%dma_wait3A_55, %dma_wait3A_56] : memref<512x16xf32, #tpu.memory_space<vmem>> -> memref<128x16xf32, #tpu.memory_space<vmem>>
    %dma_wait3A_58 = arith.constant 0 : i32
    %dma_wait3A_59 = tpu.memref_slice %arg5[%dma_wait3A, %dma_wait3A_58] : memref<4x128xi32, #tpu.memory_space<vmem>> -> memref<1x128xi32, #tpu.memory_space<vmem>>
    %dma_wait3A_60 = tpu.memref_squeeze %dma_wait3A_59 : memref<1x128xi32, #tpu.memory_space<vmem>> -> memref<128xi32, #tpu.memory_space<vmem>>
    %dma_wait3A_61 = arith.constant 0 : i32
    %dma_wait3A_62 = arith.constant 0 : i32
    %dma_wait3A_63 = tpu.memref_slice %arg2[%dma_wait3A_61, %dma_wait3A_62] : memref<1000000x16xf32, #tpu.memory_space<hbm>> -> memref<1000000x16xf32, #tpu.memory_space<hbm>>
    %dma_wait3A_64 = tpu.memref_slice %arg8[%dma_wait3A_54] : memref<4x!tpu.dma_semaphore, #tpu.memory_space<semaphore_mem>> -> memref<1x!tpu.dma_semaphore, #tpu.memory_space<semaphore_mem>>
    %dma_wait3A_65 = tpu.memref_squeeze %dma_wait3A_64 : memref<1x!tpu.dma_semaphore, #tpu.memory_space<semaphore_mem>> -> memref<!tpu.dma_semaphore, #tpu.memory_space<semaphore_mem>>
    tpu.wait_indirect_dma semaphore(%dma_wait3A_65 : memref<!tpu.dma_semaphore, #tpu.memory_space<semaphore_mem>>) src(%dma_wait3A_63 : memref<1000000x16xf32, #tpu.memory_space<hbm>>) dst(%dma_wait3A_57 : memref<128x16xf32, #tpu.memory_space<vmem>>)
    %scan3A = arith.constant 0 : i32
    %scan3A_66 = arith.constant 0 : i32
    %scan3A_67 = arith.constant 8 : i32
    %scan3A_68 = arith.addi %scan3A_66, %scan3A_67 : i32
    %scan3A_69 = arith.constant 1 : i32
    scf.for %scan3A_131 = %scan3A_66 to %scan3A_68 step %scan3A_69  : i32 {
      %add3A_132 = arith.constant 0 : i32
      %add3A_133 = vector.broadcast %add3A_132 : i32 to vector<16xi32>
      %add3A_134 = arith.addi %iota3A, %add3A_133 : vector<16xi32>
      %mul3A_135 = arith.constant 16 : i32
      %mul3A_136 = arith.muli %scan3A_131, %mul3A_135 : i32
      %add3A_137 = vector.broadcast %mul3A_136 : i32 to vector<16xi32>
      %add3A_138 = arith.addi %add3A_134, %add3A_137 : vector<16xi32>
      %broadcast_in_dim3A = arith.constant 0 : i32
      %broadcast_in_dim3A_139 = vector.broadcast %broadcast_in_dim3A : i32 to vector<16xi32>
      %gather3A = tpu.vector_load_idx %arg6[%add3A_138, %broadcast_in_dim3A_139] : memref<512x16xf32, #tpu.memory_space<vmem>>[vector<16xi32>, vector<16xi32>], vector<16xf32>,
      %exp3A = math.exp %gather3A : vector<16xf32>
      %broadcast_in_dim3A_140 = arith.constant 1 : i32
      %broadcast_in_dim3A_141 = vector.broadcast %broadcast_in_dim3A_140 : i32 to vector<16xi32>
      %gather3A_142 = tpu.vector_load_idx %arg6[%add3A_138, %broadcast_in_dim3A_141] : memref<512x16xf32, #tpu.memory_space<vmem>>[vector<16xi32>, vector<16xi32>], vector<16xf32>,
      %exp3A_143 = math.exp %gather3A_142 : vector<16xf32>
      %broadcast_in_dim3A_144 = arith.constant 2 : i32
      %broadcast_in_dim3A_145 = vector.broadcast %broadcast_in_dim3A_144 : i32 to vector<16xi32>
      %gather3A_146 = tpu.vector_load_idx %arg6[%add3A_138, %broadcast_in_dim3A_145] : memref<512x16xf32, #tpu.memory_space<vmem>>[vector<16xi32>, vector<16xi32>], vector<16xf32>,
      %exp3A_147 = math.exp %gather3A_146 : vector<16xf32>
      %broadcast_in_dim3A_148 = arith.constant 3 : i32
      %broadcast_in_dim3A_149 = vector.broadcast %broadcast_in_dim3A_148 : i32 to vector<16xi32>
      %gather3A_150 = tpu.vector_load_idx %arg6[%add3A_138, %broadcast_in_dim3A_149] : memref<512x16xf32, #tpu.memory_space<vmem>>[vector<16xi32>, vector<16xi32>], vector<16xf32>,
      %exp3A_151 = math.exp %gather3A_150 : vector<16xf32>
      %broadcast_in_dim3A_152 = arith.constant 4 : i32
      %broadcast_in_dim3A_153 = vector.broadcast %broadcast_in_dim3A_152 : i32 to vector<16xi32>
      %gather3A_154 = tpu.vector_load_idx %arg6[%add3A_138, %broadcast_in_dim3A_153] : memref<512x16xf32, #tpu.memory_space<vmem>>[vector<16xi32>, vector<16xi32>], vector<16xf32>,
      %exp3A_155 = math.exp %gather3A_154 : vector<16xf32>
      %broadcast_in_dim3A_156 = arith.constant 5 : i32
      %broadcast_in_dim3A_157 = vector.broadcast %broadcast_in_dim3A_156 : i32 to vector<16xi32>
      %gather3A_158 = tpu.vector_load_idx %arg6[%add3A_138, %broadcast_in_dim3A_157] : memref<512x16xf32, #tpu.memory_space<vmem>>[vector<16xi32>, vector<16xi32>], vector<16xf32>,
      %exp3A_159 = math.exp %gather3A_158 : vector<16xf32>
      %broadcast_in_dim3A_160 = arith.constant 6 : i32
      %broadcast_in_dim3A_161 = vector.broadcast %broadcast_in_dim3A_160 : i32 to vector<16xi32>
      %gather3A_162 = tpu.vector_load_idx %arg6[%add3A_138, %broadcast_in_dim3A_161] : memref<512x16xf32, #tpu.memory_space<vmem>>[vector<16xi32>, vector<16xi32>], vector<16xf32>,
      %exp3A_163 = math.exp %gather3A_162 : vector<16xf32>
      %broadcast_in_dim3A_164 = arith.constant 7 : i32
      %broadcast_in_dim3A_165 = vector.broadcast %broadcast_in_dim3A_164 : i32 to vector<16xi32>
      %gather3A_166 = tpu.vector_load_idx %arg6[%add3A_138, %broadcast_in_dim3A_165] : memref<512x16xf32, #tpu.memory_space<vmem>>[vector<16xi32>, vector<16xi32>], vector<16xf32>,
      %exp3A_167 = math.exp %gather3A_166 : vector<16xf32>
      %broadcast_in_dim3A_168 = arith.constant 8 : i32
      %broadcast_in_dim3A_169 = vector.broadcast %broadcast_in_dim3A_168 : i32 to vector<16xi32>
      %gather3A_170 = tpu.vector_load_idx %arg6[%add3A_138, %broadcast_in_dim3A_169] : memref<512x16xf32, #tpu.memory_space<vmem>>[vector<16xi32>, vector<16xi32>], vector<16xf32>,
      %exp3A_171 = math.exp %gather3A_170 : vector<16xf32>
      %broadcast_in_dim3A_172 = arith.constant 9 : i32
      %broadcast_in_dim3A_173 = vector.broadcast %broadcast_in_dim3A_172 : i32 to vector<16xi32>
      %gather3A_174 = tpu.vector_load_idx %arg6[%add3A_138, %broadcast_in_dim3A_173] : memref<512x16xf32, #tpu.memory_space<vmem>>[vector<16xi32>, vector<16xi32>], vector<16xf32>,
      %exp3A_175 = math.exp %gather3A_174 : vector<16xf32>
      %broadcast_in_dim3A_176 = arith.constant 10 : i32
      %broadcast_in_dim3A_177 = vector.broadcast %broadcast_in_dim3A_176 : i32 to vector<16xi32>
      %gather3A_178 = tpu.vector_load_idx %arg6[%add3A_138, %broadcast_in_dim3A_177] : memref<512x16xf32, #tpu.memory_space<vmem>>[vector<16xi32>, vector<16xi32>], vector<16xf32>,
      %exp3A_179 = math.exp %gather3A_178 : vector<16xf32>
      %broadcast_in_dim3A_180 = arith.constant 11 : i32
      %broadcast_in_dim3A_181 = vector.broadcast %broadcast_in_dim3A_180 : i32 to vector<16xi32>
      %gather3A_182 = tpu.vector_load_idx %arg6[%add3A_138, %broadcast_in_dim3A_181] : memref<512x16xf32, #tpu.memory_space<vmem>>[vector<16xi32>, vector<16xi32>], vector<16xf32>,
      %exp3A_183 = math.exp %gather3A_182 : vector<16xf32>
      %broadcast_in_dim3A_184 = arith.constant 12 : i32
      %broadcast_in_dim3A_185 = vector.broadcast %broadcast_in_dim3A_184 : i32 to vector<16xi32>
      %gather3A_186 = tpu.vector_load_idx %arg6[%add3A_138, %broadcast_in_dim3A_185] : memref<512x16xf32, #tpu.memory_space<vmem>>[vector<16xi32>, vector<16xi32>], vector<16xf32>,
      %exp3A_187 = math.exp %gather3A_186 : vector<16xf32>
      %broadcast_in_dim3A_188 = arith.constant 13 : i32
      %broadcast_in_dim3A_189 = vector.broadcast %broadcast_in_dim3A_188 : i32 to vector<16xi32>
      %gather3A_190 = tpu.vector_load_idx %arg6[%add3A_138, %broadcast_in_dim3A_189] : memref<512x16xf32, #tpu.memory_space<vmem>>[vector<16xi32>, vector<16xi32>], vector<16xf32>,
      %exp3A_191 = math.exp %gather3A_190 : vector<16xf32>
      %broadcast_in_dim3A_192 = arith.constant 14 : i32
      %broadcast_in_dim3A_193 = vector.broadcast %broadcast_in_dim3A_192 : i32 to vector<16xi32>
      %gather3A_194 = tpu.vector_load_idx %arg6[%add3A_138, %broadcast_in_dim3A_193] : memref<512x16xf32, #tpu.memory_space<vmem>>[vector<16xi32>, vector<16xi32>], vector<16xf32>,
      %exp3A_195 = math.exp %gather3A_194 : vector<16xf32>
      %broadcast_in_dim3A_196 = arith.constant 15 : i32
      %broadcast_in_dim3A_197 = vector.broadcast %broadcast_in_dim3A_196 : i32 to vector<16xi32>
      %gather3A_198 = tpu.vector_load_idx %arg6[%add3A_138, %broadcast_in_dim3A_197] : memref<512x16xf32, #tpu.memory_space<vmem>>[vector<16xi32>, vector<16xi32>], vector<16xf32>,
      %exp3A_199 = math.exp %gather3A_198 : vector<16xf32>
      %add3A_200 = arith.addf %exp3A, %exp3A_143 : vector<16xf32>
      %add3A_201 = arith.addf %add3A_200, %exp3A_147 : vector<16xf32>
      %add3A_202 = arith.addf %add3A_201, %exp3A_151 : vector<16xf32>
      %add3A_203 = arith.addf %add3A_202, %exp3A_155 : vector<16xf32>
      %add3A_204 = arith.addf %add3A_203, %exp3A_159 : vector<16xf32>
      %add3A_205 = arith.addf %add3A_204, %exp3A_163 : vector<16xf32>
      %add3A_206 = arith.addf %add3A_205, %exp3A_167 : vector<16xf32>
      %add3A_207 = arith.addf %add3A_206, %exp3A_171 : vector<16xf32>
      %add3A_208 = arith.addf %add3A_207, %exp3A_175 : vector<16xf32>
      %add3A_209 = arith.addf %add3A_208, %exp3A_179 : vector<16xf32>
      %add3A_210 = arith.addf %add3A_209, %exp3A_183 : vector<16xf32>
      %add3A_211 = arith.addf %add3A_210, %exp3A_187 : vector<16xf32>
      %add3A_212 = arith.addf %add3A_211, %exp3A_191 : vector<16xf32>
      %add3A_213 = arith.addf %add3A_212, %exp3A_195 : vector<16xf32>
      %add3A_214 = arith.addf %add3A_213, %exp3A_199 : vector<16xf32>
      %div3A = arith.constant 1.000000e+00 : f32
      %div3A_215 = vector.broadcast %div3A : f32 to vector<16xf32>
      %div3A_216 = arith.divf %div3A_215, %add3A_214 : vector<16xf32>
      %mul3A_217 = arith.mulf %exp3A, %div3A_216 : vector<16xf32>
      %mul3A_218 = arith.constant 16 : i32
      %mul3A_219 = arith.muli %scan3A_131, %mul3A_218 : i32
      %swap3A = arith.constant 0 : i32
      %swap3A_220 = arith.constant 0 : i32
      %swap3A_221 = arith.constant 0 : i32
      %swap3A_222 = arith.index_cast %swap3A : i32 to index
      %swap3A_223 = arith.index_cast %swap3A_220 : i32 to index
      %swap3A_224 = arith.index_cast %swap3A_221 : i32 to index
      %swap3A_225 = arith.index_cast %mul3A_219 : i32 to index
      %swap3A_226 = tpu.vector_load %arg7[%swap3A_222, %swap3A_223, %swap3A_224, %swap3A_225] {strides = array<i32>} : memref<2x4x8x128xf32, #tpu.memory_space<vmem>>, vector<16xf32>,
      tpu.vector_store %arg7[%swap3A_222, %swap3A_223, %swap3A_224, %swap3A_225], %mul3A_217 {strides = array<i32>} : memref<2x4x8x128xf32, #tpu.memory_space<vmem>>, vector<16xf32>,
      %mul3A_227 = arith.mulf %exp3A_143, %div3A_216 : vector<16xf32>
      %mul3A_228 = arith.constant 16 : i32
      %mul3A_229 = arith.muli %scan3A_131, %mul3A_228 : i32
      %swap3A_230 = arith.constant 0 : i32
      %swap3A_231 = arith.constant 0 : i32
      %swap3A_232 = arith.constant 1 : i32
      %swap3A_233 = arith.index_cast %swap3A_230 : i32 to index
      %swap3A_234 = arith.index_cast %swap3A_231 : i32 to index
      %swap3A_235 = arith.index_cast %swap3A_232 : i32 to index
      %swap3A_236 = arith.index_cast %mul3A_229 : i32 to index
      %swap3A_237 = tpu.vector_load %arg7[%swap3A_233, %swap3A_234, %swap3A_235, %swap3A_236] {strides = array<i32>} : memref<2x4x8x128xf32, #tpu.memory_space<vmem>>, vector<16xf32>,
      tpu.vector_store %arg7[%swap3A_233, %swap3A_234, %swap3A_235, %swap3A_236], %mul3A_227 {strides = array<i32>} : memref<2x4x8x128xf32, #tpu.memory_space<vmem>>, vector<16xf32>,
      %mul3A_238 = arith.mulf %exp3A_147, %div3A_216 : vector<16xf32>
      %mul3A_239 = arith.constant 16 : i32
      %mul3A_240 = arith.muli %scan3A_131, %mul3A_239 : i32
      %swap3A_241 = arith.constant 0 : i32
      %swap3A_242 = arith.constant 0 : i32
      %swap3A_243 = arith.constant 2 : i32
      %swap3A_244 = arith.index_cast %swap3A_241 : i32 to index
      %swap3A_245 = arith.index_cast %swap3A_242 : i32 to index
      %swap3A_246 = arith.index_cast %swap3A_243 : i32 to index
      %swap3A_247 = arith.index_cast %mul3A_240 : i32 to index
      %swap3A_248 = tpu.vector_load %arg7[%swap3A_244, %swap3A_245, %swap3A_246, %swap3A_247] {strides = array<i32>} : memref<2x4x8x128xf32, #tpu.memory_space<vmem>>, vector<16xf32>,
      tpu.vector_store %arg7[%swap3A_244, %swap3A_245, %swap3A_246, %swap3A_247], %mul3A_238 {strides = array<i32>} : memref<2x4x8x128xf32, #tpu.memory_space<vmem>>, vector<16xf32>,
      %mul3A_249 = arith.mulf %exp3A_151, %div3A_216 : vector<16xf32>
      %mul3A_250 = arith.constant 16 : i32
      %mul3A_251 = arith.muli %scan3A_131, %mul3A_250 : i32
      %swap3A_252 = arith.constant 0 : i32
      %swap3A_253 = arith.constant 0 : i32
      %swap3A_254 = arith.constant 3 : i32
      %swap3A_255 = arith.index_cast %swap3A_252 : i32 to index
      %swap3A_256 = arith.index_cast %swap3A_253 : i32 to index
      %swap3A_257 = arith.index_cast %swap3A_254 : i32 to index
      %swap3A_258 = arith.index_cast %mul3A_251 : i32 to index
      %swap3A_259 = tpu.vector_load %arg7[%swap3A_255, %swap3A_256, %swap3A_257, %swap3A_258] {strides = array<i32>} : memref<2x4x8x128xf32, #tpu.memory_space<vmem>>, vector<16xf32>,
      tpu.vector_store %arg7[%swap3A_255, %swap3A_256, %swap3A_257, %swap3A_258], %mul3A_249 {strides = array<i32>} : memref<2x4x8x128xf32, #tpu.memory_space<vmem>>, vector<16xf32>,
      %mul3A_260 = arith.mulf %exp3A_155, %div3A_216 : vector<16xf32>
      %mul3A_261 = arith.constant 16 : i32
      %mul3A_262 = arith.muli %scan3A_131, %mul3A_261 : i32
      %swap3A_263 = arith.constant 0 : i32
      %swap3A_264 = arith.constant 0 : i32
      %swap3A_265 = arith.constant 4 : i32
      %swap3A_266 = arith.index_cast %swap3A_263 : i32 to index
      %swap3A_267 = arith.index_cast %swap3A_264 : i32 to index
      %swap3A_268 = arith.index_cast %swap3A_265 : i32 to index
      %swap3A_269 = arith.index_cast %mul3A_262 : i32 to index
      %swap3A_270 = tpu.vector_load %arg7[%swap3A_266, %swap3A_267, %swap3A_268, %swap3A_269] {strides = array<i32>} : memref<2x4x8x128xf32, #tpu.memory_space<vmem>>, vector<16xf32>,
      tpu.vector_store %arg7[%swap3A_266, %swap3A_267, %swap3A_268, %swap3A_269], %mul3A_260 {strides = array<i32>} : memref<2x4x8x128xf32, #tpu.memory_space<vmem>>, vector<16xf32>,
      %mul3A_271 = arith.mulf %exp3A_159, %div3A_216 : vector<16xf32>
      %mul3A_272 = arith.constant 16 : i32
      %mul3A_273 = arith.muli %scan3A_131, %mul3A_272 : i32
      %swap3A_274 = arith.constant 0 : i32
      %swap3A_275 = arith.constant 0 : i32
      %swap3A_276 = arith.constant 5 : i32
      %swap3A_277 = arith.index_cast %swap3A_274 : i32 to index
      %swap3A_278 = arith.index_cast %swap3A_275 : i32 to index
      %swap3A_279 = arith.index_cast %swap3A_276 : i32 to index
      %swap3A_280 = arith.index_cast %mul3A_273 : i32 to index
      %swap3A_281 = tpu.vector_load %arg7[%swap3A_277, %swap3A_278, %swap3A_279, %swap3A_280] {strides = array<i32>} : memref<2x4x8x128xf32, #tpu.memory_space<vmem>>, vector<16xf32>,
      tpu.vector_store %arg7[%swap3A_277, %swap3A_278, %swap3A_279, %swap3A_280], %mul3A_271 {strides = array<i32>} : memref<2x4x8x128xf32, #tpu.memory_space<vmem>>, vector<16xf32>,
      %mul3A_282 = arith.mulf %exp3A_163, %div3A_216 : vector<16xf32>
      %mul3A_283 = arith.constant 16 : i32
      %mul3A_284 = arith.muli %scan3A_131, %mul3A_283 : i32
      %swap3A_285 = arith.constant 0 : i32
      %swap3A_286 = arith.constant 0 : i32
      %swap3A_287 = arith.constant 6 : i32
      %swap3A_288 = arith.index_cast %swap3A_285 : i32 to index
      %swap3A_289 = arith.index_cast %swap3A_286 : i32 to index
      %swap3A_290 = arith.index_cast %swap3A_287 : i32 to index
      %swap3A_291 = arith.index_cast %mul3A_284 : i32 to index
      %swap3A_292 = tpu.vector_load %arg7[%swap3A_288, %swap3A_289, %swap3A_290, %swap3A_291] {strides = array<i32>} : memref<2x4x8x128xf32, #tpu.memory_space<vmem>>, vector<16xf32>,
      tpu.vector_store %arg7[%swap3A_288, %swap3A_289, %swap3A_290, %swap3A_291], %mul3A_282 {strides = array<i32>} : memref<2x4x8x128xf32, #tpu.memory_space<vmem>>, vector<16xf32>,
      %mul3A_293 = arith.mulf %exp3A_167, %div3A_216 : vector<16xf32>
      %mul3A_294 = arith.constant 16 : i32
      %mul3A_295 = arith.muli %scan3A_131, %mul3A_294 : i32
      %swap3A_296 = arith.constant 0 : i32
      %swap3A_297 = arith.constant 0 : i32
      %swap3A_298 = arith.constant 7 : i32
      %swap3A_299 = arith.index_cast %swap3A_296 : i32 to index
      %swap3A_300 = arith.index_cast %swap3A_297 : i32 to index
      %swap3A_301 = arith.index_cast %swap3A_298 : i32 to index
      %swap3A_302 = arith.index_cast %mul3A_295 : i32 to index
      %swap3A_303 = tpu.vector_load %arg7[%swap3A_299, %swap3A_300, %swap3A_301, %swap3A_302] {strides = array<i32>} : memref<2x4x8x128xf32, #tpu.memory_space<vmem>>, vector<16xf32>,
      tpu.vector_store %arg7[%swap3A_299, %swap3A_300, %swap3A_301, %swap3A_302], %mul3A_293 {strides = array<i32>} : memref<2x4x8x128xf32, #tpu.memory_space<vmem>>, vector<16xf32>,
      %mul3A_304 = arith.mulf %exp3A_171, %div3A_216 : vector<16xf32>
      %mul3A_305 = arith.constant 16 : i32
      %mul3A_306 = arith.muli %scan3A_131, %mul3A_305 : i32
      %swap3A_307 = arith.constant 1 : i32
      %swap3A_308 = arith.constant 0 : i32
      %swap3A_309 = arith.constant 0 : i32
      %swap3A_310 = arith.index_cast %swap3A_307 : i32 to index
      %swap3A_311 = arith.index_cast %swap3A_308 : i32 to index
      %swap3A_312 = arith.index_cast %swap3A_309 : i32 to index
      %swap3A_313 = arith.index_cast %mul3A_306 : i32 to index
      %swap3A_314 = tpu.vector_load %arg7[%swap3A_310, %swap3A_311, %swap3A_312, %swap3A_313] {strides = array<i32>} : memref<2x4x8x128xf32, #tpu.memory_space<vmem>>, vector<16xf32>,
      tpu.vector_store %arg7[%swap3A_310, %swap3A_311, %swap3A_312, %swap3A_313], %mul3A_304 {strides = array<i32>} : memref<2x4x8x128xf32, #tpu.memory_space<vmem>>, vector<16xf32>,
      %mul3A_315 = arith.mulf %exp3A_175, %div3A_216 : vector<16xf32>
      %mul3A_316 = arith.constant 16 : i32
      %mul3A_317 = arith.muli %scan3A_131, %mul3A_316 : i32
      %swap3A_318 = arith.constant 1 : i32
      %swap3A_319 = arith.constant 0 : i32
      %swap3A_320 = arith.constant 1 : i32
      %swap3A_321 = arith.index_cast %swap3A_318 : i32 to index
      %swap3A_322 = arith.index_cast %swap3A_319 : i32 to index
      %swap3A_323 = arith.index_cast %swap3A_320 : i32 to index
      %swap3A_324 = arith.index_cast %mul3A_317 : i32 to index
      %swap3A_325 = tpu.vector_load %arg7[%swap3A_321, %swap3A_322, %swap3A_323, %swap3A_324] {strides = array<i32>} : memref<2x4x8x128xf32, #tpu.memory_space<vmem>>, vector<16xf32>,
      tpu.vector_store %arg7[%swap3A_321, %swap3A_322, %swap3A_323, %swap3A_324], %mul3A_315 {strides = array<i32>} : memref<2x4x8x128xf32, #tpu.memory_space<vmem>>, vector<16xf32>,
      %mul3A_326 = arith.mulf %exp3A_179, %div3A_216 : vector<16xf32>
      %mul3A_327 = arith.constant 16 : i32
      %mul3A_328 = arith.muli %scan3A_131, %mul3A_327 : i32
      %swap3A_329 = arith.constant 1 : i32
      %swap3A_330 = arith.constant 0 : i32
      %swap3A_331 = arith.constant 2 : i32
      %swap3A_332 = arith.index_cast %swap3A_329 : i32 to index
      %swap3A_333 = arith.index_cast %swap3A_330 : i32 to index
      %swap3A_334 = arith.index_cast %swap3A_331 : i32 to index
      %swap3A_335 = arith.index_cast %mul3A_328 : i32 to index
      %swap3A_336 = tpu.vector_load %arg7[%swap3A_332, %swap3A_333, %swap3A_334, %swap3A_335] {strides = array<i32>} : memref<2x4x8x128xf32, #tpu.memory_space<vmem>>, vector<16xf32>,
      tpu.vector_store %arg7[%swap3A_332, %swap3A_333, %swap3A_334, %swap3A_335], %mul3A_326 {strides = array<i32>} : memref<2x4x8x128xf32, #tpu.memory_space<vmem>>, vector<16xf32>,
      %mul3A_337 = arith.mulf %exp3A_183, %div3A_216 : vector<16xf32>
      %mul3A_338 = arith.constant 16 : i32
      %mul3A_339 = arith.muli %scan3A_131, %mul3A_338 : i32
      %swap3A_340 = arith.constant 1 : i32
      %swap3A_341 = arith.constant 0 : i32
      %swap3A_342 = arith.constant 3 : i32
      %swap3A_343 = arith.index_cast %swap3A_340 : i32 to index
      %swap3A_344 = arith.index_cast %swap3A_341 : i32 to index
      %swap3A_345 = arith.index_cast %swap3A_342 : i32 to index
      %swap3A_346 = arith.index_cast %mul3A_339 : i32 to index
      %swap3A_347 = tpu.vector_load %arg7[%swap3A_343, %swap3A_344, %swap3A_345, %swap3A_346] {strides = array<i32>} : memref<2x4x8x128xf32, #tpu.memory_space<vmem>>, vector<16xf32>,
      tpu.vector_store %arg7[%swap3A_343, %swap3A_344, %swap3A_345, %swap3A_346], %mul3A_337 {strides = array<i32>} : memref<2x4x8x128xf32, #tpu.memory_space<vmem>>, vector<16xf32>,
      %mul3A_348 = arith.mulf %exp3A_187, %div3A_216 : vector<16xf32>
      %mul3A_349 = arith.constant 16 : i32
      %mul3A_350 = arith.muli %scan3A_131, %mul3A_349 : i32
      %swap3A_351 = arith.constant 1 : i32
      %swap3A_352 = arith.constant 0 : i32
      %swap3A_353 = arith.constant 4 : i32
      %swap3A_354 = arith.index_cast %swap3A_351 : i32 to index
      %swap3A_355 = arith.index_cast %swap3A_352 : i32 to index
      %swap3A_356 = arith.index_cast %swap3A_353 : i32 to index
      %swap3A_357 = arith.index_cast %mul3A_350 : i32 to index
      %swap3A_358 = tpu.vector_load %arg7[%swap3A_354, %swap3A_355, %swap3A_356, %swap3A_357] {strides = array<i32>} : memref<2x4x8x128xf32, #tpu.memory_space<vmem>>, vector<16xf32>,
      tpu.vector_store %arg7[%swap3A_354, %swap3A_355, %swap3A_356, %swap3A_357], %mul3A_348 {strides = array<i32>} : memref<2x4x8x128xf32, #tpu.memory_space<vmem>>, vector<16xf32>,
      %mul3A_359 = arith.mulf %exp3A_191, %div3A_216 : vector<16xf32>
      %mul3A_360 = arith.constant 16 : i32
      %mul3A_361 = arith.muli %scan3A_131, %mul3A_360 : i32
      %swap3A_362 = arith.constant 1 : i32
      %swap3A_363 = arith.constant 0 : i32
      %swap3A_364 = arith.constant 5 : i32
      %swap3A_365 = arith.index_cast %swap3A_362 : i32 to index
      %swap3A_366 = arith.index_cast %swap3A_363 : i32 to index
      %swap3A_367 = arith.index_cast %swap3A_364 : i32 to index
      %swap3A_368 = arith.index_cast %mul3A_361 : i32 to index
      %swap3A_369 = tpu.vector_load %arg7[%swap3A_365, %swap3A_366, %swap3A_367, %swap3A_368] {strides = array<i32>} : memref<2x4x8x128xf32, #tpu.memory_space<vmem>>, vector<16xf32>,
      tpu.vector_store %arg7[%swap3A_365, %swap3A_366, %swap3A_367, %swap3A_368], %mul3A_359 {strides = array<i32>} : memref<2x4x8x128xf32, #tpu.memory_space<vmem>>, vector<16xf32>,
      %mul3A_370 = arith.mulf %exp3A_195, %div3A_216 : vector<16xf32>
      %mul3A_371 = arith.constant 16 : i32
      %mul3A_372 = arith.muli %scan3A_131, %mul3A_371 : i32
      %swap3A_373 = arith.constant 1 : i32
      %swap3A_374 = arith.constant 0 : i32
      %swap3A_375 = arith.constant 6 : i32
      %swap3A_376 = arith.index_cast %swap3A_373 : i32 to index
      %swap3A_377 = arith.index_cast %swap3A_374 : i32 to index
      %swap3A_378 = arith.index_cast %swap3A_375 : i32 to index
      %swap3A_379 = arith.index_cast %mul3A_372 : i32 to index
      %swap3A_380 = tpu.vector_load %arg7[%swap3A_376, %swap3A_377, %swap3A_378, %swap3A_379] {strides = array<i32>} : memref<2x4x8x128xf32, #tpu.memory_space<vmem>>, vector<16xf32>,
      tpu.vector_store %arg7[%swap3A_376, %swap3A_377, %swap3A_378, %swap3A_379], %mul3A_370 {strides = array<i32>} : memref<2x4x8x128xf32, #tpu.memory_space<vmem>>, vector<16xf32>,
      %mul3A_381 = arith.mulf %exp3A_199, %div3A_216 : vector<16xf32>
      %mul3A_382 = arith.constant 16 : i32
      %mul3A_383 = arith.muli %scan3A_131, %mul3A_382 : i32
      %swap3A_384 = arith.constant 1 : i32
      %swap3A_385 = arith.constant 0 : i32
      %swap3A_386 = arith.constant 7 : i32
      %swap3A_387 = arith.index_cast %swap3A_384 : i32 to index
      %swap3A_388 = arith.index_cast %swap3A_385 : i32 to index
      %swap3A_389 = arith.index_cast %swap3A_386 : i32 to index
      %swap3A_390 = arith.index_cast %mul3A_383 : i32 to index
      %swap3A_391 = tpu.vector_load %arg7[%swap3A_387, %swap3A_388, %swap3A_389, %swap3A_390] {strides = array<i32>} : memref<2x4x8x128xf32, #tpu.memory_space<vmem>>, vector<16xf32>,
      tpu.vector_store %arg7[%swap3A_387, %swap3A_388, %swap3A_389, %swap3A_390], %mul3A_381 {strides = array<i32>} : memref<2x4x8x128xf32, #tpu.memory_space<vmem>>, vector<16xf32>,
    }
    %scan3A_70 = arith.constant 8 : i32
    %dma_wait3A_71 = arith.constant 1 : i32
    %dma_wait3A_72 = arith.constant 1 : i32
    %dma_wait3A_73 = arith.constant 128 : i32
    %dma_wait3A_74 = arith.constant 0 : i32
    %dma_wait3A_75 = tpu.memref_slice %arg6[%dma_wait3A_73, %dma_wait3A_74] : memref<512x16xf32, #tpu.memory_space<vmem>> -> memref<128x16xf32, #tpu.memory_space<vmem>>
    %dma_wait3A_76 = arith.constant 0 : i32
    %dma_wait3A_77 = tpu.memref_slice %arg5[%dma_wait3A_71, %dma_wait3A_76] : memref<4x128xi32, #tpu.memory_space<vmem>> -> memref<1x128xi32, #tpu.memory_space<vmem>>
    %dma_wait3A_78 = tpu.memref_squeeze %dma_wait3A_77 : memref<1x128xi32, #tpu.memory_space<vmem>> -> memref<128xi32, #tpu.memory_space<vmem>>
    %dma_wait3A_79 = arith.constant 0 : i32
    %dma_wait3A_80 = arith.constant 0 : i32
    %dma_wait3A_81 = tpu.memref_slice %arg2[%dma_wait3A_79, %dma_wait3A_80] : memref<1000000x16xf32, #tpu.memory_space<hbm>> -> memref<1000000x16xf32, #tpu.memory_space<hbm>>
    %dma_wait3A_82 = tpu.memref_slice %arg8[%dma_wait3A_72] : memref<4x!tpu.dma_semaphore, #tpu.memory_space<semaphore_mem>> -> memref<1x!tpu.dma_semaphore, #tpu.memory_space<semaphore_mem>>
    %dma_wait3A_83 = tpu.memref_squeeze %dma_wait3A_82 : memref<1x!tpu.dma_semaphore, #tpu.memory_space<semaphore_mem>> -> memref<!tpu.dma_semaphore, #tpu.memory_space<semaphore_mem>>
    tpu.wait_indirect_dma semaphore(%dma_wait3A_83 : memref<!tpu.dma_semaphore, #tpu.memory_space<semaphore_mem>>) src(%dma_wait3A_81 : memref<1000000x16xf32, #tpu.memory_space<hbm>>) dst(%dma_wait3A_75 : memref<128x16xf32, #tpu.memory_space<vmem>>)
    %scan3A_84 = arith.constant 0 : i32
    %scan3A_85 = arith.constant 0 : i32
    %scan3A_86 = arith.constant 8 : i32
    %scan3A_87 = arith.addi %scan3A_85, %scan3A_86 : i32
    %scan3A_88 = arith.constant 1 : i32
    scf.for %scan3A_131 = %scan3A_85 to %scan3A_87 step %scan3A_88  : i32 {
      %add3A_132 = arith.constant 128 : i32
      %add3A_133 = vector.broadcast %add3A_132 : i32 to vector<16xi32>
      %add3A_134 = arith.addi %iota3A, %add3A_133 : vector<16xi32>
      %mul3A_135 = arith.constant 16 : i32
      %mul3A_136 = arith.muli %scan3A_131, %mul3A_135 : i32
      %add3A_137 = vector.broadcast %mul3A_136 : i32 to vector<16xi32>
      %add3A_138 = arith.addi %add3A_134, %add3A_137 : vector<16xi32>
      %broadcast_in_dim3A = arith.constant 0 : i32
      %broadcast_in_dim3A_139 = vector.broadcast %broadcast_in_dim3A : i32 to vector<16xi32>
      %gather3A = tpu.vector_load_idx %arg6[%add3A_138, %broadcast_in_dim3A_139] : memref<512x16xf32, #tpu.memory_space<vmem>>[vector<16xi32>, vector<16xi32>], vector<16xf32>,
      %exp3A = math.exp %gather3A : vector<16xf32>
      %broadcast_in_dim3A_140 = arith.constant 1 : i32
      %broadcast_in_dim3A_141 = vector.broadcast %broadcast_in_dim3A_140 : i32 to vector<16xi32>
      %gather3A_142 = tpu.vector_load_idx %arg6[%add3A_138, %broadcast_in_dim3A_141] : memref<512x16xf32, #tpu.memory_space<vmem>>[vector<16xi32>, vector<16xi32>], vector<16xf32>,
      %exp3A_143 = math.exp %gather3A_142 : vector<16xf32>
      %broadcast_in_dim3A_144 = arith.constant 2 : i32
      %broadcast_in_dim3A_145 = vector.broadcast %broadcast_in_dim3A_144 : i32 to vector<16xi32>
      %gather3A_146 = tpu.vector_load_idx %arg6[%add3A_138, %broadcast_in_dim3A_145] : memref<512x16xf32, #tpu.memory_space<vmem>>[vector<16xi32>, vector<16xi32>], vector<16xf32>,
      %exp3A_147 = math.exp %gather3A_146 : vector<16xf32>
      %broadcast_in_dim3A_148 = arith.constant 3 : i32
      %broadcast_in_dim3A_149 = vector.broadcast %broadcast_in_dim3A_148 : i32 to vector<16xi32>
      %gather3A_150 = tpu.vector_load_idx %arg6[%add3A_138, %broadcast_in_dim3A_149] : memref<512x16xf32, #tpu.memory_space<vmem>>[vector<16xi32>, vector<16xi32>], vector<16xf32>,
      %exp3A_151 = math.exp %gather3A_150 : vector<16xf32>
      %broadcast_in_dim3A_152 = arith.constant 4 : i32
      %broadcast_in_dim3A_153 = vector.broadcast %broadcast_in_dim3A_152 : i32 to vector<16xi32>
      %gather3A_154 = tpu.vector_load_idx %arg6[%add3A_138, %broadcast_in_dim3A_153] : memref<512x16xf32, #tpu.memory_space<vmem>>[vector<16xi32>, vector<16xi32>], vector<16xf32>,
      %exp3A_155 = math.exp %gather3A_154 : vector<16xf32>
      %broadcast_in_dim3A_156 = arith.constant 5 : i32
      %broadcast_in_dim3A_157 = vector.broadcast %broadcast_in_dim3A_156 : i32 to vector<16xi32>
      %gather3A_158 = tpu.vector_load_idx %arg6[%add3A_138, %broadcast_in_dim3A_157] : memref<512x16xf32, #tpu.memory_space<vmem>>[vector<16xi32>, vector<16xi32>], vector<16xf32>,
      %exp3A_159 = math.exp %gather3A_158 : vector<16xf32>
      %broadcast_in_dim3A_160 = arith.constant 6 : i32
      %broadcast_in_dim3A_161 = vector.broadcast %broadcast_in_dim3A_160 : i32 to vector<16xi32>
      %gather3A_162 = tpu.vector_load_idx %arg6[%add3A_138, %broadcast_in_dim3A_161] : memref<512x16xf32, #tpu.memory_space<vmem>>[vector<16xi32>, vector<16xi32>], vector<16xf32>,
      %exp3A_163 = math.exp %gather3A_162 : vector<16xf32>
      %broadcast_in_dim3A_164 = arith.constant 7 : i32
      %broadcast_in_dim3A_165 = vector.broadcast %broadcast_in_dim3A_164 : i32 to vector<16xi32>
      %gather3A_166 = tpu.vector_load_idx %arg6[%add3A_138, %broadcast_in_dim3A_165] : memref<512x16xf32, #tpu.memory_space<vmem>>[vector<16xi32>, vector<16xi32>], vector<16xf32>,
      %exp3A_167 = math.exp %gather3A_166 : vector<16xf32>
      %broadcast_in_dim3A_168 = arith.constant 8 : i32
      %broadcast_in_dim3A_169 = vector.broadcast %broadcast_in_dim3A_168 : i32 to vector<16xi32>
      %gather3A_170 = tpu.vector_load_idx %arg6[%add3A_138, %broadcast_in_dim3A_169] : memref<512x16xf32, #tpu.memory_space<vmem>>[vector<16xi32>, vector<16xi32>], vector<16xf32>,
      %exp3A_171 = math.exp %gather3A_170 : vector<16xf32>
      %broadcast_in_dim3A_172 = arith.constant 9 : i32
      %broadcast_in_dim3A_173 = vector.broadcast %broadcast_in_dim3A_172 : i32 to vector<16xi32>
      %gather3A_174 = tpu.vector_load_idx %arg6[%add3A_138, %broadcast_in_dim3A_173] : memref<512x16xf32, #tpu.memory_space<vmem>>[vector<16xi32>, vector<16xi32>], vector<16xf32>,
      %exp3A_175 = math.exp %gather3A_174 : vector<16xf32>
      %broadcast_in_dim3A_176 = arith.constant 10 : i32
      %broadcast_in_dim3A_177 = vector.broadcast %broadcast_in_dim3A_176 : i32 to vector<16xi32>
      %gather3A_178 = tpu.vector_load_idx %arg6[%add3A_138, %broadcast_in_dim3A_177] : memref<512x16xf32, #tpu.memory_space<vmem>>[vector<16xi32>, vector<16xi32>], vector<16xf32>,
      %exp3A_179 = math.exp %gather3A_178 : vector<16xf32>
      %broadcast_in_dim3A_180 = arith.constant 11 : i32
      %broadcast_in_dim3A_181 = vector.broadcast %broadcast_in_dim3A_180 : i32 to vector<16xi32>
      %gather3A_182 = tpu.vector_load_idx %arg6[%add3A_138, %broadcast_in_dim3A_181] : memref<512x16xf32, #tpu.memory_space<vmem>>[vector<16xi32>, vector<16xi32>], vector<16xf32>,
      %exp3A_183 = math.exp %gather3A_182 : vector<16xf32>
      %broadcast_in_dim3A_184 = arith.constant 12 : i32
      %broadcast_in_dim3A_185 = vector.broadcast %broadcast_in_dim3A_184 : i32 to vector<16xi32>
      %gather3A_186 = tpu.vector_load_idx %arg6[%add3A_138, %broadcast_in_dim3A_185] : memref<512x16xf32, #tpu.memory_space<vmem>>[vector<16xi32>, vector<16xi32>], vector<16xf32>,
      %exp3A_187 = math.exp %gather3A_186 : vector<16xf32>
      %broadcast_in_dim3A_188 = arith.constant 13 : i32
      %broadcast_in_dim3A_189 = vector.broadcast %broadcast_in_dim3A_188 : i32 to vector<16xi32>
      %gather3A_190 = tpu.vector_load_idx %arg6[%add3A_138, %broadcast_in_dim3A_189] : memref<512x16xf32, #tpu.memory_space<vmem>>[vector<16xi32>, vector<16xi32>], vector<16xf32>,
      %exp3A_191 = math.exp %gather3A_190 : vector<16xf32>
      %broadcast_in_dim3A_192 = arith.constant 14 : i32
      %broadcast_in_dim3A_193 = vector.broadcast %broadcast_in_dim3A_192 : i32 to vector<16xi32>
      %gather3A_194 = tpu.vector_load_idx %arg6[%add3A_138, %broadcast_in_dim3A_193] : memref<512x16xf32, #tpu.memory_space<vmem>>[vector<16xi32>, vector<16xi32>], vector<16xf32>,
      %exp3A_195 = math.exp %gather3A_194 : vector<16xf32>
      %broadcast_in_dim3A_196 = arith.constant 15 : i32
      %broadcast_in_dim3A_197 = vector.broadcast %broadcast_in_dim3A_196 : i32 to vector<16xi32>
      %gather3A_198 = tpu.vector_load_idx %arg6[%add3A_138, %broadcast_in_dim3A_197] : memref<512x16xf32, #tpu.memory_space<vmem>>[vector<16xi32>, vector<16xi32>], vector<16xf32>,
      %exp3A_199 = math.exp %gather3A_198 : vector<16xf32>
      %add3A_200 = arith.addf %exp3A, %exp3A_143 : vector<16xf32>
      %add3A_201 = arith.addf %add3A_200, %exp3A_147 : vector<16xf32>
      %add3A_202 = arith.addf %add3A_201, %exp3A_151 : vector<16xf32>
      %add3A_203 = arith.addf %add3A_202, %exp3A_155 : vector<16xf32>
      %add3A_204 = arith.addf %add3A_203, %exp3A_159 : vector<16xf32>
      %add3A_205 = arith.addf %add3A_204, %exp3A_163 : vector<16xf32>
      %add3A_206 = arith.addf %add3A_205, %exp3A_167 : vector<16xf32>
      %add3A_207 = arith.addf %add3A_206, %exp3A_171 : vector<16xf32>
      %add3A_208 = arith.addf %add3A_207, %exp3A_175 : vector<16xf32>
      %add3A_209 = arith.addf %add3A_208, %exp3A_179 : vector<16xf32>
      %add3A_210 = arith.addf %add3A_209, %exp3A_183 : vector<16xf32>
      %add3A_211 = arith.addf %add3A_210, %exp3A_187 : vector<16xf32>
      %add3A_212 = arith.addf %add3A_211, %exp3A_191 : vector<16xf32>
      %add3A_213 = arith.addf %add3A_212, %exp3A_195 : vector<16xf32>
      %add3A_214 = arith.addf %add3A_213, %exp3A_199 : vector<16xf32>
      %div3A = arith.constant 1.000000e+00 : f32
      %div3A_215 = vector.broadcast %div3A : f32 to vector<16xf32>
      %div3A_216 = arith.divf %div3A_215, %add3A_214 : vector<16xf32>
      %mul3A_217 = arith.mulf %exp3A, %div3A_216 : vector<16xf32>
      %mul3A_218 = arith.constant 16 : i32
      %mul3A_219 = arith.muli %scan3A_131, %mul3A_218 : i32
      %swap3A = arith.constant 0 : i32
      %swap3A_220 = arith.constant 1 : i32
      %swap3A_221 = arith.constant 0 : i32
      %swap3A_222 = arith.index_cast %swap3A : i32 to index
      %swap3A_223 = arith.index_cast %swap3A_220 : i32 to index
      %swap3A_224 = arith.index_cast %swap3A_221 : i32 to index
      %swap3A_225 = arith.index_cast %mul3A_219 : i32 to index
      %swap3A_226 = tpu.vector_load %arg7[%swap3A_222, %swap3A_223, %swap3A_224, %swap3A_225] {strides = array<i32>} : memref<2x4x8x128xf32, #tpu.memory_space<vmem>>, vector<16xf32>,
      tpu.vector_store %arg7[%swap3A_222, %swap3A_223, %swap3A_224, %swap3A_225], %mul3A_217 {strides = array<i32>} : memref<2x4x8x128xf32, #tpu.memory_space<vmem>>, vector<16xf32>,
      %mul3A_227 = arith.mulf %exp3A_143, %div3A_216 : vector<16xf32>
      %mul3A_228 = arith.constant 16 : i32
      %mul3A_229 = arith.muli %scan3A_131, %mul3A_228 : i32
      %swap3A_230 = arith.constant 0 : i32
      %swap3A_231 = arith.constant 1 : i32
      %swap3A_232 = arith.constant 1 : i32
      %swap3A_233 = arith.index_cast %swap3A_230 : i32 to index
      %swap3A_234 = arith.index_cast %swap3A_231 : i32 to index
      %swap3A_235 = arith.index_cast %swap3A_232 : i32 to index
      %swap3A_236 = arith.index_cast %mul3A_229 : i32 to index
      %swap3A_237 = tpu.vector_load %arg7[%swap3A_233, %swap3A_234, %swap3A_235, %swap3A_236] {strides = array<i32>} : memref<2x4x8x128xf32, #tpu.memory_space<vmem>>, vector<16xf32>,
      tpu.vector_store %arg7[%swap3A_233, %swap3A_234, %swap3A_235, %swap3A_236], %mul3A_227 {strides = array<i32>} : memref<2x4x8x128xf32, #tpu.memory_space<vmem>>, vector<16xf32>,
      %mul3A_238 = arith.mulf %exp3A_147, %div3A_216 : vector<16xf32>
      %mul3A_239 = arith.constant 16 : i32
      %mul3A_240 = arith.muli %scan3A_131, %mul3A_239 : i32
      %swap3A_241 = arith.constant 0 : i32
      %swap3A_242 = arith.constant 1 : i32
      %swap3A_243 = arith.constant 2 : i32
      %swap3A_244 = arith.index_cast %swap3A_241 : i32 to index
      %swap3A_245 = arith.index_cast %swap3A_242 : i32 to index
      %swap3A_246 = arith.index_cast %swap3A_243 : i32 to index
      %swap3A_247 = arith.index_cast %mul3A_240 : i32 to index
      %swap3A_248 = tpu.vector_load %arg7[%swap3A_244, %swap3A_245, %swap3A_246, %swap3A_247] {strides = array<i32>} : memref<2x4x8x128xf32, #tpu.memory_space<vmem>>, vector<16xf32>,
      tpu.vector_store %arg7[%swap3A_244, %swap3A_245, %swap3A_246, %swap3A_247], %mul3A_238 {strides = array<i32>} : memref<2x4x8x128xf32, #tpu.memory_space<vmem>>, vector<16xf32>,
      %mul3A_249 = arith.mulf %exp3A_151, %div3A_216 : vector<16xf32>
      %mul3A_250 = arith.constant 16 : i32
      %mul3A_251 = arith.muli %scan3A_131, %mul3A_250 : i32
      %swap3A_252 = arith.constant 0 : i32
      %swap3A_253 = arith.constant 1 : i32
      %swap3A_254 = arith.constant 3 : i32
      %swap3A_255 = arith.index_cast %swap3A_252 : i32 to index
      %swap3A_256 = arith.index_cast %swap3A_253 : i32 to index
      %swap3A_257 = arith.index_cast %swap3A_254 : i32 to index
      %swap3A_258 = arith.index_cast %mul3A_251 : i32 to index
      %swap3A_259 = tpu.vector_load %arg7[%swap3A_255, %swap3A_256, %swap3A_257, %swap3A_258] {strides = array<i32>} : memref<2x4x8x128xf32, #tpu.memory_space<vmem>>, vector<16xf32>,
      tpu.vector_store %arg7[%swap3A_255, %swap3A_256, %swap3A_257, %swap3A_258], %mul3A_249 {strides = array<i32>} : memref<2x4x8x128xf32, #tpu.memory_space<vmem>>, vector<16xf32>,
      %mul3A_260 = arith.mulf %exp3A_155, %div3A_216 : vector<16xf32>
      %mul3A_261 = arith.constant 16 : i32
      %mul3A_262 = arith.muli %scan3A_131, %mul3A_261 : i32
      %swap3A_263 = arith.constant 0 : i32
      %swap3A_264 = arith.constant 1 : i32
      %swap3A_265 = arith.constant 4 : i32
      %swap3A_266 = arith.index_cast %swap3A_263 : i32 to index
      %swap3A_267 = arith.index_cast %swap3A_264 : i32 to index
      %swap3A_268 = arith.index_cast %swap3A_265 : i32 to index
      %swap3A_269 = arith.index_cast %mul3A_262 : i32 to index
      %swap3A_270 = tpu.vector_load %arg7[%swap3A_266, %swap3A_267, %swap3A_268, %swap3A_269] {strides = array<i32>} : memref<2x4x8x128xf32, #tpu.memory_space<vmem>>, vector<16xf32>,
      tpu.vector_store %arg7[%swap3A_266, %swap3A_267, %swap3A_268, %swap3A_269], %mul3A_260 {strides = array<i32>} : memref<2x4x8x128xf32, #tpu.memory_space<vmem>>, vector<16xf32>,
      %mul3A_271 = arith.mulf %exp3A_159, %div3A_216 : vector<16xf32>
      %mul3A_272 = arith.constant 16 : i32
      %mul3A_273 = arith.muli %scan3A_131, %mul3A_272 : i32
      %swap3A_274 = arith.constant 0 : i32
      %swap3A_275 = arith.constant 1 : i32
      %swap3A_276 = arith.constant 5 : i32
      %swap3A_277 = arith.index_cast %swap3A_274 : i32 to index
      %swap3A_278 = arith.index_cast %swap3A_275 : i32 to index
      %swap3A_279 = arith.index_cast %swap3A_276 : i32 to index
      %swap3A_280 = arith.index_cast %mul3A_273 : i32 to index
      %swap3A_281 = tpu.vector_load %arg7[%swap3A_277, %swap3A_278, %swap3A_279, %swap3A_280] {strides = array<i32>} : memref<2x4x8x128xf32, #tpu.memory_space<vmem>>, vector<16xf32>,
      tpu.vector_store %arg7[%swap3A_277, %swap3A_278, %swap3A_279, %swap3A_280], %mul3A_271 {strides = array<i32>} : memref<2x4x8x128xf32, #tpu.memory_space<vmem>>, vector<16xf32>,
      %mul3A_282 = arith.mulf %exp3A_163, %div3A_216 : vector<16xf32>
      %mul3A_283 = arith.constant 16 : i32
      %mul3A_284 = arith.muli %scan3A_131, %mul3A_283 : i32
      %swap3A_285 = arith.constant 0 : i32
      %swap3A_286 = arith.constant 1 : i32
      %swap3A_287 = arith.constant 6 : i32
      %swap3A_288 = arith.index_cast %swap3A_285 : i32 to index
      %swap3A_289 = arith.index_cast %swap3A_286 : i32 to index
      %swap3A_290 = arith.index_cast %swap3A_287 : i32 to index
      %swap3A_291 = arith.index_cast %mul3A_284 : i32 to index
      %swap3A_292 = tpu.vector_load %arg7[%swap3A_288, %swap3A_289, %swap3A_290, %swap3A_291] {strides = array<i32>} : memref<2x4x8x128xf32, #tpu.memory_space<vmem>>, vector<16xf32>,
      tpu.vector_store %arg7[%swap3A_288, %swap3A_289, %swap3A_290, %swap3A_291], %mul3A_282 {strides = array<i32>} : memref<2x4x8x128xf32, #tpu.memory_space<vmem>>, vector<16xf32>,
      %mul3A_293 = arith.mulf %exp3A_167, %div3A_216 : vector<16xf32>
      %mul3A_294 = arith.constant 16 : i32
      %mul3A_295 = arith.muli %scan3A_131, %mul3A_294 : i32
      %swap3A_296 = arith.constant 0 : i32
      %swap3A_297 = arith.constant 1 : i32
      %swap3A_298 = arith.constant 7 : i32
      %swap3A_299 = arith.index_cast %swap3A_296 : i32 to index
      %swap3A_300 = arith.index_cast %swap3A_297 : i32 to index
      %swap3A_301 = arith.index_cast %swap3A_298 : i32 to index
      %swap3A_302 = arith.index_cast %mul3A_295 : i32 to index
      %swap3A_303 = tpu.vector_load %arg7[%swap3A_299, %swap3A_300, %swap3A_301, %swap3A_302] {strides = array<i32>} : memref<2x4x8x128xf32, #tpu.memory_space<vmem>>, vector<16xf32>,
      tpu.vector_store %arg7[%swap3A_299, %swap3A_300, %swap3A_301, %swap3A_302], %mul3A_293 {strides = array<i32>} : memref<2x4x8x128xf32, #tpu.memory_space<vmem>>, vector<16xf32>,
      %mul3A_304 = arith.mulf %exp3A_171, %div3A_216 : vector<16xf32>
      %mul3A_305 = arith.constant 16 : i32
      %mul3A_306 = arith.muli %scan3A_131, %mul3A_305 : i32
      %swap3A_307 = arith.constant 1 : i32
      %swap3A_308 = arith.constant 1 : i32
      %swap3A_309 = arith.constant 0 : i32
      %swap3A_310 = arith.index_cast %swap3A_307 : i32 to index
      %swap3A_311 = arith.index_cast %swap3A_308 : i32 to index
      %swap3A_312 = arith.index_cast %swap3A_309 : i32 to index
      %swap3A_313 = arith.index_cast %mul3A_306 : i32 to index
      %swap3A_314 = tpu.vector_load %arg7[%swap3A_310, %swap3A_311, %swap3A_312, %swap3A_313] {strides = array<i32>} : memref<2x4x8x128xf32, #tpu.memory_space<vmem>>, vector<16xf32>,
      tpu.vector_store %arg7[%swap3A_310, %swap3A_311, %swap3A_312, %swap3A_313], %mul3A_304 {strides = array<i32>} : memref<2x4x8x128xf32, #tpu.memory_space<vmem>>, vector<16xf32>,
      %mul3A_315 = arith.mulf %exp3A_175, %div3A_216 : vector<16xf32>
      %mul3A_316 = arith.constant 16 : i32
      %mul3A_317 = arith.muli %scan3A_131, %mul3A_316 : i32
      %swap3A_318 = arith.constant 1 : i32
      %swap3A_319 = arith.constant 1 : i32
      %swap3A_320 = arith.constant 1 : i32
      %swap3A_321 = arith.index_cast %swap3A_318 : i32 to index
      %swap3A_322 = arith.index_cast %swap3A_319 : i32 to index
      %swap3A_323 = arith.index_cast %swap3A_320 : i32 to index
      %swap3A_324 = arith.index_cast %mul3A_317 : i32 to index
      %swap3A_325 = tpu.vector_load %arg7[%swap3A_321, %swap3A_322, %swap3A_323, %swap3A_324] {strides = array<i32>} : memref<2x4x8x128xf32, #tpu.memory_space<vmem>>, vector<16xf32>,
      tpu.vector_store %arg7[%swap3A_321, %swap3A_322, %swap3A_323, %swap3A_324], %mul3A_315 {strides = array<i32>} : memref<2x4x8x128xf32, #tpu.memory_space<vmem>>, vector<16xf32>,
      %mul3A_326 = arith.mulf %exp3A_179, %div3A_216 : vector<16xf32>
      %mul3A_327 = arith.constant 16 : i32
      %mul3A_328 = arith.muli %scan3A_131, %mul3A_327 : i32
      %swap3A_329 = arith.constant 1 : i32
      %swap3A_330 = arith.constant 1 : i32
      %swap3A_331 = arith.constant 2 : i32
      %swap3A_332 = arith.index_cast %swap3A_329 : i32 to index
      %swap3A_333 = arith.index_cast %swap3A_330 : i32 to index
      %swap3A_334 = arith.index_cast %swap3A_331 : i32 to index
      %swap3A_335 = arith.index_cast %mul3A_328 : i32 to index
      %swap3A_336 = tpu.vector_load %arg7[%swap3A_332, %swap3A_333, %swap3A_334, %swap3A_335] {strides = array<i32>} : memref<2x4x8x128xf32, #tpu.memory_space<vmem>>, vector<16xf32>,
      tpu.vector_store %arg7[%swap3A_332, %swap3A_333, %swap3A_334, %swap3A_335], %mul3A_326 {strides = array<i32>} : memref<2x4x8x128xf32, #tpu.memory_space<vmem>>, vector<16xf32>,
      %mul3A_337 = arith.mulf %exp3A_183, %div3A_216 : vector<16xf32>
      %mul3A_338 = arith.constant 16 : i32
      %mul3A_339 = arith.muli %scan3A_131, %mul3A_338 : i32
      %swap3A_340 = arith.constant 1 : i32
      %swap3A_341 = arith.constant 1 : i32
      %swap3A_342 = arith.constant 3 : i32
      %swap3A_343 = arith.index_cast %swap3A_340 : i32 to index
      %swap3A_344 = arith.index_cast %swap3A_341 : i32 to index
      %swap3A_345 = arith.index_cast %swap3A_342 : i32 to index
      %swap3A_346 = arith.index_cast %mul3A_339 : i32 to index
      %swap3A_347 = tpu.vector_load %arg7[%swap3A_343, %swap3A_344, %swap3A_345, %swap3A_346] {strides = array<i32>} : memref<2x4x8x128xf32, #tpu.memory_space<vmem>>, vector<16xf32>,
      tpu.vector_store %arg7[%swap3A_343, %swap3A_344, %swap3A_345, %swap3A_346], %mul3A_337 {strides = array<i32>} : memref<2x4x8x128xf32, #tpu.memory_space<vmem>>, vector<16xf32>,
      %mul3A_348 = arith.mulf %exp3A_187, %div3A_216 : vector<16xf32>
      %mul3A_349 = arith.constant 16 : i32
      %mul3A_350 = arith.muli %scan3A_131, %mul3A_349 : i32
      %swap3A_351 = arith.constant 1 : i32
      %swap3A_352 = arith.constant 1 : i32
      %swap3A_353 = arith.constant 4 : i32
      %swap3A_354 = arith.index_cast %swap3A_351 : i32 to index
      %swap3A_355 = arith.index_cast %swap3A_352 : i32 to index
      %swap3A_356 = arith.index_cast %swap3A_353 : i32 to index
      %swap3A_357 = arith.index_cast %mul3A_350 : i32 to index
      %swap3A_358 = tpu.vector_load %arg7[%swap3A_354, %swap3A_355, %swap3A_356, %swap3A_357] {strides = array<i32>} : memref<2x4x8x128xf32, #tpu.memory_space<vmem>>, vector<16xf32>,
      tpu.vector_store %arg7[%swap3A_354, %swap3A_355, %swap3A_356, %swap3A_357], %mul3A_348 {strides = array<i32>} : memref<2x4x8x128xf32, #tpu.memory_space<vmem>>, vector<16xf32>,
      %mul3A_359 = arith.mulf %exp3A_191, %div3A_216 : vector<16xf32>
      %mul3A_360 = arith.constant 16 : i32
      %mul3A_361 = arith.muli %scan3A_131, %mul3A_360 : i32
      %swap3A_362 = arith.constant 1 : i32
      %swap3A_363 = arith.constant 1 : i32
      %swap3A_364 = arith.constant 5 : i32
      %swap3A_365 = arith.index_cast %swap3A_362 : i32 to index
      %swap3A_366 = arith.index_cast %swap3A_363 : i32 to index
      %swap3A_367 = arith.index_cast %swap3A_364 : i32 to index
      %swap3A_368 = arith.index_cast %mul3A_361 : i32 to index
      %swap3A_369 = tpu.vector_load %arg7[%swap3A_365, %swap3A_366, %swap3A_367, %swap3A_368] {strides = array<i32>} : memref<2x4x8x128xf32, #tpu.memory_space<vmem>>, vector<16xf32>,
      tpu.vector_store %arg7[%swap3A_365, %swap3A_366, %swap3A_367, %swap3A_368], %mul3A_359 {strides = array<i32>} : memref<2x4x8x128xf32, #tpu.memory_space<vmem>>, vector<16xf32>,
      %mul3A_370 = arith.mulf %exp3A_195, %div3A_216 : vector<16xf32>
      %mul3A_371 = arith.constant 16 : i32
      %mul3A_372 = arith.muli %scan3A_131, %mul3A_371 : i32
      %swap3A_373 = arith.constant 1 : i32
      %swap3A_374 = arith.constant 1 : i32
      %swap3A_375 = arith.constant 6 : i32
      %swap3A_376 = arith.index_cast %swap3A_373 : i32 to index
      %swap3A_377 = arith.index_cast %swap3A_374 : i32 to index
      %swap3A_378 = arith.index_cast %swap3A_375 : i32 to index
      %swap3A_379 = arith.index_cast %mul3A_372 : i32 to index
      %swap3A_380 = tpu.vector_load %arg7[%swap3A_376, %swap3A_377, %swap3A_378, %swap3A_379] {strides = array<i32>} : memref<2x4x8x128xf32, #tpu.memory_space<vmem>>, vector<16xf32>,
      tpu.vector_store %arg7[%swap3A_376, %swap3A_377, %swap3A_378, %swap3A_379], %mul3A_370 {strides = array<i32>} : memref<2x4x8x128xf32, #tpu.memory_space<vmem>>, vector<16xf32>,
      %mul3A_381 = arith.mulf %exp3A_199, %div3A_216 : vector<16xf32>
      %mul3A_382 = arith.constant 16 : i32
      %mul3A_383 = arith.muli %scan3A_131, %mul3A_382 : i32
      %swap3A_384 = arith.constant 1 : i32
      %swap3A_385 = arith.constant 1 : i32
      %swap3A_386 = arith.constant 7 : i32
      %swap3A_387 = arith.index_cast %swap3A_384 : i32 to index
      %swap3A_388 = arith.index_cast %swap3A_385 : i32 to index
      %swap3A_389 = arith.index_cast %swap3A_386 : i32 to index
      %swap3A_390 = arith.index_cast %mul3A_383 : i32 to index
      %swap3A_391 = tpu.vector_load %arg7[%swap3A_387, %swap3A_388, %swap3A_389, %swap3A_390] {strides = array<i32>} : memref<2x4x8x128xf32, #tpu.memory_space<vmem>>, vector<16xf32>,
      tpu.vector_store %arg7[%swap3A_387, %swap3A_388, %swap3A_389, %swap3A_390], %mul3A_381 {strides = array<i32>} : memref<2x4x8x128xf32, #tpu.memory_space<vmem>>, vector<16xf32>,
    }
    %scan3A_89 = arith.constant 8 : i32
    %dma_wait3A_90 = arith.constant 2 : i32
    %dma_wait3A_91 = arith.constant 2 : i32
    %dma_wait3A_92 = arith.constant 256 : i32
    %dma_wait3A_93 = arith.constant 0 : i32
    %dma_wait3A_94 = tpu.memref_slice %arg6[%dma_wait3A_92, %dma_wait3A_93] : memref<512x16xf32, #tpu.memory_space<vmem>> -> memref<128x16xf32, #tpu.memory_space<vmem>>
    %dma_wait3A_95 = arith.constant 0 : i32
    %dma_wait3A_96 = tpu.memref_slice %arg5[%dma_wait3A_90, %dma_wait3A_95] : memref<4x128xi32, #tpu.memory_space<vmem>> -> memref<1x128xi32, #tpu.memory_space<vmem>>
    %dma_wait3A_97 = tpu.memref_squeeze %dma_wait3A_96 : memref<1x128xi32, #tpu.memory_space<vmem>> -> memref<128xi32, #tpu.memory_space<vmem>>
    %dma_wait3A_98 = arith.constant 0 : i32
    %dma_wait3A_99 = arith.constant 0 : i32
    %dma_wait3A_100 = tpu.memref_slice %arg2[%dma_wait3A_98, %dma_wait3A_99] : memref<1000000x16xf32, #tpu.memory_space<hbm>> -> memref<1000000x16xf32, #tpu.memory_space<hbm>>
    %dma_wait3A_101 = tpu.memref_slice %arg8[%dma_wait3A_91] : memref<4x!tpu.dma_semaphore, #tpu.memory_space<semaphore_mem>> -> memref<1x!tpu.dma_semaphore, #tpu.memory_space<semaphore_mem>>
    %dma_wait3A_102 = tpu.memref_squeeze %dma_wait3A_101 : memref<1x!tpu.dma_semaphore, #tpu.memory_space<semaphore_mem>> -> memref<!tpu.dma_semaphore, #tpu.memory_space<semaphore_mem>>
    tpu.wait_indirect_dma semaphore(%dma_wait3A_102 : memref<!tpu.dma_semaphore, #tpu.memory_space<semaphore_mem>>) src(%dma_wait3A_100 : memref<1000000x16xf32, #tpu.memory_space<hbm>>) dst(%dma_wait3A_94 : memref<128x16xf32, #tpu.memory_space<vmem>>)
    %scan3A_103 = arith.constant 0 : i32
    %scan3A_104 = arith.constant 0 : i32
    %scan3A_105 = arith.constant 8 : i32
    %scan3A_106 = arith.addi %scan3A_104, %scan3A_105 : i32
    %scan3A_107 = arith.constant 1 : i32
    scf.for %scan3A_131 = %scan3A_104 to %scan3A_106 step %scan3A_107  : i32 {
      %add3A_132 = arith.constant 256 : i32
      %add3A_133 = vector.broadcast %add3A_132 : i32 to vector<16xi32>
      %add3A_134 = arith.addi %iota3A, %add3A_133 : vector<16xi32>
      %mul3A_135 = arith.constant 16 : i32
      %mul3A_136 = arith.muli %scan3A_131, %mul3A_135 : i32
      %add3A_137 = vector.broadcast %mul3A_136 : i32 to vector<16xi32>
      %add3A_138 = arith.addi %add3A_134, %add3A_137 : vector<16xi32>
      %broadcast_in_dim3A = arith.constant 0 : i32
      %broadcast_in_dim3A_139 = vector.broadcast %broadcast_in_dim3A : i32 to vector<16xi32>
      %gather3A = tpu.vector_load_idx %arg6[%add3A_138, %broadcast_in_dim3A_139] : memref<512x16xf32, #tpu.memory_space<vmem>>[vector<16xi32>, vector<16xi32>], vector<16xf32>,
      %exp3A = math.exp %gather3A : vector<16xf32>
      %broadcast_in_dim3A_140 = arith.constant 1 : i32
      %broadcast_in_dim3A_141 = vector.broadcast %broadcast_in_dim3A_140 : i32 to vector<16xi32>
      %gather3A_142 = tpu.vector_load_idx %arg6[%add3A_138, %broadcast_in_dim3A_141] : memref<512x16xf32, #tpu.memory_space<vmem>>[vector<16xi32>, vector<16xi32>], vector<16xf32>,
      %exp3A_143 = math.exp %gather3A_142 : vector<16xf32>
      %broadcast_in_dim3A_144 = arith.constant 2 : i32
      %broadcast_in_dim3A_145 = vector.broadcast %broadcast_in_dim3A_144 : i32 to vector<16xi32>
      %gather3A_146 = tpu.vector_load_idx %arg6[%add3A_138, %broadcast_in_dim3A_145] : memref<512x16xf32, #tpu.memory_space<vmem>>[vector<16xi32>, vector<16xi32>], vector<16xf32>,
      %exp3A_147 = math.exp %gather3A_146 : vector<16xf32>
      %broadcast_in_dim3A_148 = arith.constant 3 : i32
      %broadcast_in_dim3A_149 = vector.broadcast %broadcast_in_dim3A_148 : i32 to vector<16xi32>
      %gather3A_150 = tpu.vector_load_idx %arg6[%add3A_138, %broadcast_in_dim3A_149] : memref<512x16xf32, #tpu.memory_space<vmem>>[vector<16xi32>, vector<16xi32>], vector<16xf32>,
      %exp3A_151 = math.exp %gather3A_150 : vector<16xf32>
      %broadcast_in_dim3A_152 = arith.constant 4 : i32
      %broadcast_in_dim3A_153 = vector.broadcast %broadcast_in_dim3A_152 : i32 to vector<16xi32>
      %gather3A_154 = tpu.vector_load_idx %arg6[%add3A_138, %broadcast_in_dim3A_153] : memref<512x16xf32, #tpu.memory_space<vmem>>[vector<16xi32>, vector<16xi32>], vector<16xf32>,
      %exp3A_155 = math.exp %gather3A_154 : vector<16xf32>
      %broadcast_in_dim3A_156 = arith.constant 5 : i32
      %broadcast_in_dim3A_157 = vector.broadcast %broadcast_in_dim3A_156 : i32 to vector<16xi32>
      %gather3A_158 = tpu.vector_load_idx %arg6[%add3A_138, %broadcast_in_dim3A_157] : memref<512x16xf32, #tpu.memory_space<vmem>>[vector<16xi32>, vector<16xi32>], vector<16xf32>,
      %exp3A_159 = math.exp %gather3A_158 : vector<16xf32>
      %broadcast_in_dim3A_160 = arith.constant 6 : i32
      %broadcast_in_dim3A_161 = vector.broadcast %broadcast_in_dim3A_160 : i32 to vector<16xi32>
      %gather3A_162 = tpu.vector_load_idx %arg6[%add3A_138, %broadcast_in_dim3A_161] : memref<512x16xf32, #tpu.memory_space<vmem>>[vector<16xi32>, vector<16xi32>], vector<16xf32>,
      %exp3A_163 = math.exp %gather3A_162 : vector<16xf32>
      %broadcast_in_dim3A_164 = arith.constant 7 : i32
      %broadcast_in_dim3A_165 = vector.broadcast %broadcast_in_dim3A_164 : i32 to vector<16xi32>
      %gather3A_166 = tpu.vector_load_idx %arg6[%add3A_138, %broadcast_in_dim3A_165] : memref<512x16xf32, #tpu.memory_space<vmem>>[vector<16xi32>, vector<16xi32>], vector<16xf32>,
      %exp3A_167 = math.exp %gather3A_166 : vector<16xf32>
      %broadcast_in_dim3A_168 = arith.constant 8 : i32
      %broadcast_in_dim3A_169 = vector.broadcast %broadcast_in_dim3A_168 : i32 to vector<16xi32>
      %gather3A_170 = tpu.vector_load_idx %arg6[%add3A_138, %broadcast_in_dim3A_169] : memref<512x16xf32, #tpu.memory_space<vmem>>[vector<16xi32>, vector<16xi32>], vector<16xf32>,
      %exp3A_171 = math.exp %gather3A_170 : vector<16xf32>
      %broadcast_in_dim3A_172 = arith.constant 9 : i32
      %broadcast_in_dim3A_173 = vector.broadcast %broadcast_in_dim3A_172 : i32 to vector<16xi32>
      %gather3A_174 = tpu.vector_load_idx %arg6[%add3A_138, %broadcast_in_dim3A_173] : memref<512x16xf32, #tpu.memory_space<vmem>>[vector<16xi32>, vector<16xi32>], vector<16xf32>,
      %exp3A_175 = math.exp %gather3A_174 : vector<16xf32>
      %broadcast_in_dim3A_176 = arith.constant 10 : i32
      %broadcast_in_dim3A_177 = vector.broadcast %broadcast_in_dim3A_176 : i32 to vector<16xi32>
      %gather3A_178 = tpu.vector_load_idx %arg6[%add3A_138, %broadcast_in_dim3A_177] : memref<512x16xf32, #tpu.memory_space<vmem>>[vector<16xi32>, vector<16xi32>], vector<16xf32>,
      %exp3A_179 = math.exp %gather3A_178 : vector<16xf32>
      %broadcast_in_dim3A_180 = arith.constant 11 : i32
      %broadcast_in_dim3A_181 = vector.broadcast %broadcast_in_dim3A_180 : i32 to vector<16xi32>
      %gather3A_182 = tpu.vector_load_idx %arg6[%add3A_138, %broadcast_in_dim3A_181] : memref<512x16xf32, #tpu.memory_space<vmem>>[vector<16xi32>, vector<16xi32>], vector<16xf32>,
      %exp3A_183 = math.exp %gather3A_182 : vector<16xf32>
      %broadcast_in_dim3A_184 = arith.constant 12 : i32
      %broadcast_in_dim3A_185 = vector.broadcast %broadcast_in_dim3A_184 : i32 to vector<16xi32>
      %gather3A_186 = tpu.vector_load_idx %arg6[%add3A_138, %broadcast_in_dim3A_185] : memref<512x16xf32, #tpu.memory_space<vmem>>[vector<16xi32>, vector<16xi32>], vector<16xf32>,
      %exp3A_187 = math.exp %gather3A_186 : vector<16xf32>
      %broadcast_in_dim3A_188 = arith.constant 13 : i32
      %broadcast_in_dim3A_189 = vector.broadcast %broadcast_in_dim3A_188 : i32 to vector<16xi32>
      %gather3A_190 = tpu.vector_load_idx %arg6[%add3A_138, %broadcast_in_dim3A_189] : memref<512x16xf32, #tpu.memory_space<vmem>>[vector<16xi32>, vector<16xi32>], vector<16xf32>,
      %exp3A_191 = math.exp %gather3A_190 : vector<16xf32>
      %broadcast_in_dim3A_192 = arith.constant 14 : i32
      %broadcast_in_dim3A_193 = vector.broadcast %broadcast_in_dim3A_192 : i32 to vector<16xi32>
      %gather3A_194 = tpu.vector_load_idx %arg6[%add3A_138, %broadcast_in_dim3A_193] : memref<512x16xf32, #tpu.memory_space<vmem>>[vector<16xi32>, vector<16xi32>], vector<16xf32>,
      %exp3A_195 = math.exp %gather3A_194 : vector<16xf32>
      %broadcast_in_dim3A_196 = arith.constant 15 : i32
      %broadcast_in_dim3A_197 = vector.broadcast %broadcast_in_dim3A_196 : i32 to vector<16xi32>
      %gather3A_198 = tpu.vector_load_idx %arg6[%add3A_138, %broadcast_in_dim3A_197] : memref<512x16xf32, #tpu.memory_space<vmem>>[vector<16xi32>, vector<16xi32>], vector<16xf32>,
      %exp3A_199 = math.exp %gather3A_198 : vector<16xf32>
      %add3A_200 = arith.addf %exp3A, %exp3A_143 : vector<16xf32>
      %add3A_201 = arith.addf %add3A_200, %exp3A_147 : vector<16xf32>
      %add3A_202 = arith.addf %add3A_201, %exp3A_151 : vector<16xf32>
      %add3A_203 = arith.addf %add3A_202, %exp3A_155 : vector<16xf32>
      %add3A_204 = arith.addf %add3A_203, %exp3A_159 : vector<16xf32>
      %add3A_205 = arith.addf %add3A_204, %exp3A_163 : vector<16xf32>
      %add3A_206 = arith.addf %add3A_205, %exp3A_167 : vector<16xf32>
      %add3A_207 = arith.addf %add3A_206, %exp3A_171 : vector<16xf32>
      %add3A_208 = arith.addf %add3A_207, %exp3A_175 : vector<16xf32>
      %add3A_209 = arith.addf %add3A_208, %exp3A_179 : vector<16xf32>
      %add3A_210 = arith.addf %add3A_209, %exp3A_183 : vector<16xf32>
      %add3A_211 = arith.addf %add3A_210, %exp3A_187 : vector<16xf32>
      %add3A_212 = arith.addf %add3A_211, %exp3A_191 : vector<16xf32>
      %add3A_213 = arith.addf %add3A_212, %exp3A_195 : vector<16xf32>
      %add3A_214 = arith.addf %add3A_213, %exp3A_199 : vector<16xf32>
      %div3A = arith.constant 1.000000e+00 : f32
      %div3A_215 = vector.broadcast %div3A : f32 to vector<16xf32>
      %div3A_216 = arith.divf %div3A_215, %add3A_214 : vector<16xf32>
      %mul3A_217 = arith.mulf %exp3A, %div3A_216 : vector<16xf32>
      %mul3A_218 = arith.constant 16 : i32
      %mul3A_219 = arith.muli %scan3A_131, %mul3A_218 : i32
      %swap3A = arith.constant 0 : i32
      %swap3A_220 = arith.constant 2 : i32
      %swap3A_221 = arith.constant 0 : i32
      %swap3A_222 = arith.index_cast %swap3A : i32 to index
      %swap3A_223 = arith.index_cast %swap3A_220 : i32 to index
      %swap3A_224 = arith.index_cast %swap3A_221 : i32 to index
      %swap3A_225 = arith.index_cast %mul3A_219 : i32 to index
      %swap3A_226 = tpu.vector_load %arg7[%swap3A_222, %swap3A_223, %swap3A_224, %swap3A_225] {strides = array<i32>} : memref<2x4x8x128xf32, #tpu.memory_space<vmem>>, vector<16xf32>,
      tpu.vector_store %arg7[%swap3A_222, %swap3A_223, %swap3A_224, %swap3A_225], %mul3A_217 {strides = array<i32>} : memref<2x4x8x128xf32, #tpu.memory_space<vmem>>, vector<16xf32>,
      %mul3A_227 = arith.mulf %exp3A_143, %div3A_216 : vector<16xf32>
      %mul3A_228 = arith.constant 16 : i32
      %mul3A_229 = arith.muli %scan3A_131, %mul3A_228 : i32
      %swap3A_230 = arith.constant 0 : i32
      %swap3A_231 = arith.constant 2 : i32
      %swap3A_232 = arith.constant 1 : i32
      %swap3A_233 = arith.index_cast %swap3A_230 : i32 to index
      %swap3A_234 = arith.index_cast %swap3A_231 : i32 to index
      %swap3A_235 = arith.index_cast %swap3A_232 : i32 to index
      %swap3A_236 = arith.index_cast %mul3A_229 : i32 to index
      %swap3A_237 = tpu.vector_load %arg7[%swap3A_233, %swap3A_234, %swap3A_235, %swap3A_236] {strides = array<i32>} : memref<2x4x8x128xf32, #tpu.memory_space<vmem>>, vector<16xf32>,
      tpu.vector_store %arg7[%swap3A_233, %swap3A_234, %swap3A_235, %swap3A_236], %mul3A_227 {strides = array<i32>} : memref<2x4x8x128xf32, #tpu.memory_space<vmem>>, vector<16xf32>,
      %mul3A_238 = arith.mulf %exp3A_147, %div3A_216 : vector<16xf32>
      %mul3A_239 = arith.constant 16 : i32
      %mul3A_240 = arith.muli %scan3A_131, %mul3A_239 : i32
      %swap3A_241 = arith.constant 0 : i32
      %swap3A_242 = arith.constant 2 : i32
      %swap3A_243 = arith.constant 2 : i32
      %swap3A_244 = arith.index_cast %swap3A_241 : i32 to index
      %swap3A_245 = arith.index_cast %swap3A_242 : i32 to index
      %swap3A_246 = arith.index_cast %swap3A_243 : i32 to index
      %swap3A_247 = arith.index_cast %mul3A_240 : i32 to index
      %swap3A_248 = tpu.vector_load %arg7[%swap3A_244, %swap3A_245, %swap3A_246, %swap3A_247] {strides = array<i32>} : memref<2x4x8x128xf32, #tpu.memory_space<vmem>>, vector<16xf32>,
      tpu.vector_store %arg7[%swap3A_244, %swap3A_245, %swap3A_246, %swap3A_247], %mul3A_238 {strides = array<i32>} : memref<2x4x8x128xf32, #tpu.memory_space<vmem>>, vector<16xf32>,
      %mul3A_249 = arith.mulf %exp3A_151, %div3A_216 : vector<16xf32>
      %mul3A_250 = arith.constant 16 : i32
      %mul3A_251 = arith.muli %scan3A_131, %mul3A_250 : i32
      %swap3A_252 = arith.constant 0 : i32
      %swap3A_253 = arith.constant 2 : i32
      %swap3A_254 = arith.constant 3 : i32
      %swap3A_255 = arith.index_cast %swap3A_252 : i32 to index
      %swap3A_256 = arith.index_cast %swap3A_253 : i32 to index
      %swap3A_257 = arith.index_cast %swap3A_254 : i32 to index
      %swap3A_258 = arith.index_cast %mul3A_251 : i32 to index
      %swap3A_259 = tpu.vector_load %arg7[%swap3A_255, %swap3A_256, %swap3A_257, %swap3A_258] {strides = array<i32>} : memref<2x4x8x128xf32, #tpu.memory_space<vmem>>, vector<16xf32>,
      tpu.vector_store %arg7[%swap3A_255, %swap3A_256, %swap3A_257, %swap3A_258], %mul3A_249 {strides = array<i32>} : memref<2x4x8x128xf32, #tpu.memory_space<vmem>>, vector<16xf32>,
      %mul3A_260 = arith.mulf %exp3A_155, %div3A_216 : vector<16xf32>
      %mul3A_261 = arith.constant 16 : i32
      %mul3A_262 = arith.muli %scan3A_131, %mul3A_261 : i32
      %swap3A_263 = arith.constant 0 : i32
      %swap3A_264 = arith.constant 2 : i32
      %swap3A_265 = arith.constant 4 : i32
      %swap3A_266 = arith.index_cast %swap3A_263 : i32 to index
      %swap3A_267 = arith.index_cast %swap3A_264 : i32 to index
      %swap3A_268 = arith.index_cast %swap3A_265 : i32 to index
      %swap3A_269 = arith.index_cast %mul3A_262 : i32 to index
      %swap3A_270 = tpu.vector_load %arg7[%swap3A_266, %swap3A_267, %swap3A_268, %swap3A_269] {strides = array<i32>} : memref<2x4x8x128xf32, #tpu.memory_space<vmem>>, vector<16xf32>,
      tpu.vector_store %arg7[%swap3A_266, %swap3A_267, %swap3A_268, %swap3A_269], %mul3A_260 {strides = array<i32>} : memref<2x4x8x128xf32, #tpu.memory_space<vmem>>, vector<16xf32>,
      %mul3A_271 = arith.mulf %exp3A_159, %div3A_216 : vector<16xf32>
      %mul3A_272 = arith.constant 16 : i32
      %mul3A_273 = arith.muli %scan3A_131, %mul3A_272 : i32
      %swap3A_274 = arith.constant 0 : i32
      %swap3A_275 = arith.constant 2 : i32
      %swap3A_276 = arith.constant 5 : i32
      %swap3A_277 = arith.index_cast %swap3A_274 : i32 to index
      %swap3A_278 = arith.index_cast %swap3A_275 : i32 to index
      %swap3A_279 = arith.index_cast %swap3A_276 : i32 to index
      %swap3A_280 = arith.index_cast %mul3A_273 : i32 to index
      %swap3A_281 = tpu.vector_load %arg7[%swap3A_277, %swap3A_278, %swap3A_279, %swap3A_280] {strides = array<i32>} : memref<2x4x8x128xf32, #tpu.memory_space<vmem>>, vector<16xf32>,
      tpu.vector_store %arg7[%swap3A_277, %swap3A_278, %swap3A_279, %swap3A_280], %mul3A_271 {strides = array<i32>} : memref<2x4x8x128xf32, #tpu.memory_space<vmem>>, vector<16xf32>,
      %mul3A_282 = arith.mulf %exp3A_163, %div3A_216 : vector<16xf32>
      %mul3A_283 = arith.constant 16 : i32
      %mul3A_284 = arith.muli %scan3A_131, %mul3A_283 : i32
      %swap3A_285 = arith.constant 0 : i32
      %swap3A_286 = arith.constant 2 : i32
      %swap3A_287 = arith.constant 6 : i32
      %swap3A_288 = arith.index_cast %swap3A_285 : i32 to index
      %swap3A_289 = arith.index_cast %swap3A_286 : i32 to index
      %swap3A_290 = arith.index_cast %swap3A_287 : i32 to index
      %swap3A_291 = arith.index_cast %mul3A_284 : i32 to index
      %swap3A_292 = tpu.vector_load %arg7[%swap3A_288, %swap3A_289, %swap3A_290, %swap3A_291] {strides = array<i32>} : memref<2x4x8x128xf32, #tpu.memory_space<vmem>>, vector<16xf32>,
      tpu.vector_store %arg7[%swap3A_288, %swap3A_289, %swap3A_290, %swap3A_291], %mul3A_282 {strides = array<i32>} : memref<2x4x8x128xf32, #tpu.memory_space<vmem>>, vector<16xf32>,
      %mul3A_293 = arith.mulf %exp3A_167, %div3A_216 : vector<16xf32>
      %mul3A_294 = arith.constant 16 : i32
      %mul3A_295 = arith.muli %scan3A_131, %mul3A_294 : i32
      %swap3A_296 = arith.constant 0 : i32
      %swap3A_297 = arith.constant 2 : i32
      %swap3A_298 = arith.constant 7 : i32
      %swap3A_299 = arith.index_cast %swap3A_296 : i32 to index
      %swap3A_300 = arith.index_cast %swap3A_297 : i32 to index
      %swap3A_301 = arith.index_cast %swap3A_298 : i32 to index
      %swap3A_302 = arith.index_cast %mul3A_295 : i32 to index
      %swap3A_303 = tpu.vector_load %arg7[%swap3A_299, %swap3A_300, %swap3A_301, %swap3A_302] {strides = array<i32>} : memref<2x4x8x128xf32, #tpu.memory_space<vmem>>, vector<16xf32>,
      tpu.vector_store %arg7[%swap3A_299, %swap3A_300, %swap3A_301, %swap3A_302], %mul3A_293 {strides = array<i32>} : memref<2x4x8x128xf32, #tpu.memory_space<vmem>>, vector<16xf32>,
      %mul3A_304 = arith.mulf %exp3A_171, %div3A_216 : vector<16xf32>
      %mul3A_305 = arith.constant 16 : i32
      %mul3A_306 = arith.muli %scan3A_131, %mul3A_305 : i32
      %swap3A_307 = arith.constant 1 : i32
      %swap3A_308 = arith.constant 2 : i32
      %swap3A_309 = arith.constant 0 : i32
      %swap3A_310 = arith.index_cast %swap3A_307 : i32 to index
      %swap3A_311 = arith.index_cast %swap3A_308 : i32 to index
      %swap3A_312 = arith.index_cast %swap3A_309 : i32 to index
      %swap3A_313 = arith.index_cast %mul3A_306 : i32 to index
      %swap3A_314 = tpu.vector_load %arg7[%swap3A_310, %swap3A_311, %swap3A_312, %swap3A_313] {strides = array<i32>} : memref<2x4x8x128xf32, #tpu.memory_space<vmem>>, vector<16xf32>,
      tpu.vector_store %arg7[%swap3A_310, %swap3A_311, %swap3A_312, %swap3A_313], %mul3A_304 {strides = array<i32>} : memref<2x4x8x128xf32, #tpu.memory_space<vmem>>, vector<16xf32>,
      %mul3A_315 = arith.mulf %exp3A_175, %div3A_216 : vector<16xf32>
      %mul3A_316 = arith.constant 16 : i32
      %mul3A_317 = arith.muli %scan3A_131, %mul3A_316 : i32
      %swap3A_318 = arith.constant 1 : i32
      %swap3A_319 = arith.constant 2 : i32
      %swap3A_320 = arith.constant 1 : i32
      %swap3A_321 = arith.index_cast %swap3A_318 : i32 to index
      %swap3A_322 = arith.index_cast %swap3A_319 : i32 to index
      %swap3A_323 = arith.index_cast %swap3A_320 : i32 to index
      %swap3A_324 = arith.index_cast %mul3A_317 : i32 to index
      %swap3A_325 = tpu.vector_load %arg7[%swap3A_321, %swap3A_322, %swap3A_323, %swap3A_324] {strides = array<i32>} : memref<2x4x8x128xf32, #tpu.memory_space<vmem>>, vector<16xf32>,
      tpu.vector_store %arg7[%swap3A_321, %swap3A_322, %swap3A_323, %swap3A_324], %mul3A_315 {strides = array<i32>} : memref<2x4x8x128xf32, #tpu.memory_space<vmem>>, vector<16xf32>,
      %mul3A_326 = arith.mulf %exp3A_179, %div3A_216 : vector<16xf32>
      %mul3A_327 = arith.constant 16 : i32
      %mul3A_328 = arith.muli %scan3A_131, %mul3A_327 : i32
      %swap3A_329 = arith.constant 1 : i32
      %swap3A_330 = arith.constant 2 : i32
      %swap3A_331 = arith.constant 2 : i32
      %swap3A_332 = arith.index_cast %swap3A_329 : i32 to index
      %swap3A_333 = arith.index_cast %swap3A_330 : i32 to index
      %swap3A_334 = arith.index_cast %swap3A_331 : i32 to index
      %swap3A_335 = arith.index_cast %mul3A_328 : i32 to index
      %swap3A_336 = tpu.vector_load %arg7[%swap3A_332, %swap3A_333, %swap3A_334, %swap3A_335] {strides = array<i32>} : memref<2x4x8x128xf32, #tpu.memory_space<vmem>>, vector<16xf32>,
      tpu.vector_store %arg7[%swap3A_332, %swap3A_333, %swap3A_334, %swap3A_335], %mul3A_326 {strides = array<i32>} : memref<2x4x8x128xf32, #tpu.memory_space<vmem>>, vector<16xf32>,
      %mul3A_337 = arith.mulf %exp3A_183, %div3A_216 : vector<16xf32>
      %mul3A_338 = arith.constant 16 : i32
      %mul3A_339 = arith.muli %scan3A_131, %mul3A_338 : i32
      %swap3A_340 = arith.constant 1 : i32
      %swap3A_341 = arith.constant 2 : i32
      %swap3A_342 = arith.constant 3 : i32
      %swap3A_343 = arith.index_cast %swap3A_340 : i32 to index
      %swap3A_344 = arith.index_cast %swap3A_341 : i32 to index
      %swap3A_345 = arith.index_cast %swap3A_342 : i32 to index
      %swap3A_346 = arith.index_cast %mul3A_339 : i32 to index
      %swap3A_347 = tpu.vector_load %arg7[%swap3A_343, %swap3A_344, %swap3A_345, %swap3A_346] {strides = array<i32>} : memref<2x4x8x128xf32, #tpu.memory_space<vmem>>, vector<16xf32>,
      tpu.vector_store %arg7[%swap3A_343, %swap3A_344, %swap3A_345, %swap3A_346], %mul3A_337 {strides = array<i32>} : memref<2x4x8x128xf32, #tpu.memory_space<vmem>>, vector<16xf32>,
      %mul3A_348 = arith.mulf %exp3A_187, %div3A_216 : vector<16xf32>
      %mul3A_349 = arith.constant 16 : i32
      %mul3A_350 = arith.muli %scan3A_131, %mul3A_349 : i32
      %swap3A_351 = arith.constant 1 : i32
      %swap3A_352 = arith.constant 2 : i32
      %swap3A_353 = arith.constant 4 : i32
      %swap3A_354 = arith.index_cast %swap3A_351 : i32 to index
      %swap3A_355 = arith.index_cast %swap3A_352 : i32 to index
      %swap3A_356 = arith.index_cast %swap3A_353 : i32 to index
      %swap3A_357 = arith.index_cast %mul3A_350 : i32 to index
      %swap3A_358 = tpu.vector_load %arg7[%swap3A_354, %swap3A_355, %swap3A_356, %swap3A_357] {strides = array<i32>} : memref<2x4x8x128xf32, #tpu.memory_space<vmem>>, vector<16xf32>,
      tpu.vector_store %arg7[%swap3A_354, %swap3A_355, %swap3A_356, %swap3A_357], %mul3A_348 {strides = array<i32>} : memref<2x4x8x128xf32, #tpu.memory_space<vmem>>, vector<16xf32>,
      %mul3A_359 = arith.mulf %exp3A_191, %div3A_216 : vector<16xf32>
      %mul3A_360 = arith.constant 16 : i32
      %mul3A_361 = arith.muli %scan3A_131, %mul3A_360 : i32
      %swap3A_362 = arith.constant 1 : i32
      %swap3A_363 = arith.constant 2 : i32
      %swap3A_364 = arith.constant 5 : i32
      %swap3A_365 = arith.index_cast %swap3A_362 : i32 to index
      %swap3A_366 = arith.index_cast %swap3A_363 : i32 to index
      %swap3A_367 = arith.index_cast %swap3A_364 : i32 to index
      %swap3A_368 = arith.index_cast %mul3A_361 : i32 to index
      %swap3A_369 = tpu.vector_load %arg7[%swap3A_365, %swap3A_366, %swap3A_367, %swap3A_368] {strides = array<i32>} : memref<2x4x8x128xf32, #tpu.memory_space<vmem>>, vector<16xf32>,
      tpu.vector_store %arg7[%swap3A_365, %swap3A_366, %swap3A_367, %swap3A_368], %mul3A_359 {strides = array<i32>} : memref<2x4x8x128xf32, #tpu.memory_space<vmem>>, vector<16xf32>,
      %mul3A_370 = arith.mulf %exp3A_195, %div3A_216 : vector<16xf32>
      %mul3A_371 = arith.constant 16 : i32
      %mul3A_372 = arith.muli %scan3A_131, %mul3A_371 : i32
      %swap3A_373 = arith.constant 1 : i32
      %swap3A_374 = arith.constant 2 : i32
      %swap3A_375 = arith.constant 6 : i32
      %swap3A_376 = arith.index_cast %swap3A_373 : i32 to index
      %swap3A_377 = arith.index_cast %swap3A_374 : i32 to index
      %swap3A_378 = arith.index_cast %swap3A_375 : i32 to index
      %swap3A_379 = arith.index_cast %mul3A_372 : i32 to index
      %swap3A_380 = tpu.vector_load %arg7[%swap3A_376, %swap3A_377, %swap3A_378, %swap3A_379] {strides = array<i32>} : memref<2x4x8x128xf32, #tpu.memory_space<vmem>>, vector<16xf32>,
      tpu.vector_store %arg7[%swap3A_376, %swap3A_377, %swap3A_378, %swap3A_379], %mul3A_370 {strides = array<i32>} : memref<2x4x8x128xf32, #tpu.memory_space<vmem>>, vector<16xf32>,
      %mul3A_381 = arith.mulf %exp3A_199, %div3A_216 : vector<16xf32>
      %mul3A_382 = arith.constant 16 : i32
      %mul3A_383 = arith.muli %scan3A_131, %mul3A_382 : i32
      %swap3A_384 = arith.constant 1 : i32
      %swap3A_385 = arith.constant 2 : i32
      %swap3A_386 = arith.constant 7 : i32
      %swap3A_387 = arith.index_cast %swap3A_384 : i32 to index
      %swap3A_388 = arith.index_cast %swap3A_385 : i32 to index
      %swap3A_389 = arith.index_cast %swap3A_386 : i32 to index
      %swap3A_390 = arith.index_cast %mul3A_383 : i32 to index
      %swap3A_391 = tpu.vector_load %arg7[%swap3A_387, %swap3A_388, %swap3A_389, %swap3A_390] {strides = array<i32>} : memref<2x4x8x128xf32, #tpu.memory_space<vmem>>, vector<16xf32>,
      tpu.vector_store %arg7[%swap3A_387, %swap3A_388, %swap3A_389, %swap3A_390], %mul3A_381 {strides = array<i32>} : memref<2x4x8x128xf32, #tpu.memory_space<vmem>>, vector<16xf32>,
    }
    %scan3A_108 = arith.constant 8 : i32
    %dma_wait3A_109 = arith.constant 3 : i32
    %dma_wait3A_110 = arith.constant 3 : i32
    %dma_wait3A_111 = arith.constant 384 : i32
    %dma_wait3A_112 = arith.constant 0 : i32
    %dma_wait3A_113 = tpu.memref_slice %arg6[%dma_wait3A_111, %dma_wait3A_112] : memref<512x16xf32, #tpu.memory_space<vmem>> -> memref<128x16xf32, #tpu.memory_space<vmem>>
    %dma_wait3A_114 = arith.constant 0 : i32
    %dma_wait3A_115 = tpu.memref_slice %arg5[%dma_wait3A_109, %dma_wait3A_114] : memref<4x128xi32, #tpu.memory_space<vmem>> -> memref<1x128xi32, #tpu.memory_space<vmem>>
    %dma_wait3A_116 = tpu.memref_squeeze %dma_wait3A_115 : memref<1x128xi32, #tpu.memory_space<vmem>> -> memref<128xi32, #tpu.memory_space<vmem>>
    %dma_wait3A_117 = arith.constant 0 : i32
    %dma_wait3A_118 = arith.constant 0 : i32
    %dma_wait3A_119 = tpu.memref_slice %arg2[%dma_wait3A_117, %dma_wait3A_118] : memref<1000000x16xf32, #tpu.memory_space<hbm>> -> memref<1000000x16xf32, #tpu.memory_space<hbm>>
    %dma_wait3A_120 = tpu.memref_slice %arg8[%dma_wait3A_110] : memref<4x!tpu.dma_semaphore, #tpu.memory_space<semaphore_mem>> -> memref<1x!tpu.dma_semaphore, #tpu.memory_space<semaphore_mem>>
    %dma_wait3A_121 = tpu.memref_squeeze %dma_wait3A_120 : memref<1x!tpu.dma_semaphore, #tpu.memory_space<semaphore_mem>> -> memref<!tpu.dma_semaphore, #tpu.memory_space<semaphore_mem>>
    tpu.wait_indirect_dma semaphore(%dma_wait3A_121 : memref<!tpu.dma_semaphore, #tpu.memory_space<semaphore_mem>>) src(%dma_wait3A_119 : memref<1000000x16xf32, #tpu.memory_space<hbm>>) dst(%dma_wait3A_113 : memref<128x16xf32, #tpu.memory_space<vmem>>)
    %scan3A_122 = arith.constant 0 : i32
    %scan3A_123 = arith.constant 0 : i32
    %scan3A_124 = arith.constant 8 : i32
    %scan3A_125 = arith.addi %scan3A_123, %scan3A_124 : i32
    %scan3A_126 = arith.constant 1 : i32
    scf.for %scan3A_131 = %scan3A_123 to %scan3A_125 step %scan3A_126  : i32 {
      %add3A_132 = arith.constant 384 : i32
      %add3A_133 = vector.broadcast %add3A_132 : i32 to vector<16xi32>
      %add3A_134 = arith.addi %iota3A, %add3A_133 : vector<16xi32>
      %mul3A_135 = arith.constant 16 : i32
      %mul3A_136 = arith.muli %scan3A_131, %mul3A_135 : i32
      %add3A_137 = vector.broadcast %mul3A_136 : i32 to vector<16xi32>
      %add3A_138 = arith.addi %add3A_134, %add3A_137 : vector<16xi32>
      %broadcast_in_dim3A = arith.constant 0 : i32
      %broadcast_in_dim3A_139 = vector.broadcast %broadcast_in_dim3A : i32 to vector<16xi32>
      %gather3A = tpu.vector_load_idx %arg6[%add3A_138, %broadcast_in_dim3A_139] : memref<512x16xf32, #tpu.memory_space<vmem>>[vector<16xi32>, vector<16xi32>], vector<16xf32>,
      %exp3A = math.exp %gather3A : vector<16xf32>
      %broadcast_in_dim3A_140 = arith.constant 1 : i32
      %broadcast_in_dim3A_141 = vector.broadcast %broadcast_in_dim3A_140 : i32 to vector<16xi32>
      %gather3A_142 = tpu.vector_load_idx %arg6[%add3A_138, %broadcast_in_dim3A_141] : memref<512x16xf32, #tpu.memory_space<vmem>>[vector<16xi32>, vector<16xi32>], vector<16xf32>,
      %exp3A_143 = math.exp %gather3A_142 : vector<16xf32>
      %broadcast_in_dim3A_144 = arith.constant 2 : i32
      %broadcast_in_dim3A_145 = vector.broadcast %broadcast_in_dim3A_144 : i32 to vector<16xi32>
      %gather3A_146 = tpu.vector_load_idx %arg6[%add3A_138, %broadcast_in_dim3A_145] : memref<512x16xf32, #tpu.memory_space<vmem>>[vector<16xi32>, vector<16xi32>], vector<16xf32>,
      %exp3A_147 = math.exp %gather3A_146 : vector<16xf32>
      %broadcast_in_dim3A_148 = arith.constant 3 : i32
      %broadcast_in_dim3A_149 = vector.broadcast %broadcast_in_dim3A_148 : i32 to vector<16xi32>
      %gather3A_150 = tpu.vector_load_idx %arg6[%add3A_138, %broadcast_in_dim3A_149] : memref<512x16xf32, #tpu.memory_space<vmem>>[vector<16xi32>, vector<16xi32>], vector<16xf32>,
      %exp3A_151 = math.exp %gather3A_150 : vector<16xf32>
      %broadcast_in_dim3A_152 = arith.constant 4 : i32
      %broadcast_in_dim3A_153 = vector.broadcast %broadcast_in_dim3A_152 : i32 to vector<16xi32>
      %gather3A_154 = tpu.vector_load_idx %arg6[%add3A_138, %broadcast_in_dim3A_153] : memref<512x16xf32, #tpu.memory_space<vmem>>[vector<16xi32>, vector<16xi32>], vector<16xf32>,
      %exp3A_155 = math.exp %gather3A_154 : vector<16xf32>
      %broadcast_in_dim3A_156 = arith.constant 5 : i32
      %broadcast_in_dim3A_157 = vector.broadcast %broadcast_in_dim3A_156 : i32 to vector<16xi32>
      %gather3A_158 = tpu.vector_load_idx %arg6[%add3A_138, %broadcast_in_dim3A_157] : memref<512x16xf32, #tpu.memory_space<vmem>>[vector<16xi32>, vector<16xi32>], vector<16xf32>,
      %exp3A_159 = math.exp %gather3A_158 : vector<16xf32>
      %broadcast_in_dim3A_160 = arith.constant 6 : i32
      %broadcast_in_dim3A_161 = vector.broadcast %broadcast_in_dim3A_160 : i32 to vector<16xi32>
      %gather3A_162 = tpu.vector_load_idx %arg6[%add3A_138, %broadcast_in_dim3A_161] : memref<512x16xf32, #tpu.memory_space<vmem>>[vector<16xi32>, vector<16xi32>], vector<16xf32>,
      %exp3A_163 = math.exp %gather3A_162 : vector<16xf32>
      %broadcast_in_dim3A_164 = arith.constant 7 : i32
      %broadcast_in_dim3A_165 = vector.broadcast %broadcast_in_dim3A_164 : i32 to vector<16xi32>
      %gather3A_166 = tpu.vector_load_idx %arg6[%add3A_138, %broadcast_in_dim3A_165] : memref<512x16xf32, #tpu.memory_space<vmem>>[vector<16xi32>, vector<16xi32>], vector<16xf32>,
      %exp3A_167 = math.exp %gather3A_166 : vector<16xf32>
      %broadcast_in_dim3A_168 = arith.constant 8 : i32
      %broadcast_in_dim3A_169 = vector.broadcast %broadcast_in_dim3A_168 : i32 to vector<16xi32>
      %gather3A_170 = tpu.vector_load_idx %arg6[%add3A_138, %broadcast_in_dim3A_169] : memref<512x16xf32, #tpu.memory_space<vmem>>[vector<16xi32>, vector<16xi32>], vector<16xf32>,
      %exp3A_171 = math.exp %gather3A_170 : vector<16xf32>
      %broadcast_in_dim3A_172 = arith.constant 9 : i32
      %broadcast_in_dim3A_173 = vector.broadcast %broadcast_in_dim3A_172 : i32 to vector<16xi32>
      %gather3A_174 = tpu.vector_load_idx %arg6[%add3A_138, %broadcast_in_dim3A_173] : memref<512x16xf32, #tpu.memory_space<vmem>>[vector<16xi32>, vector<16xi32>], vector<16xf32>,
      %exp3A_175 = math.exp %gather3A_174 : vector<16xf32>
      %broadcast_in_dim3A_176 = arith.constant 10 : i32
      %broadcast_in_dim3A_177 = vector.broadcast %broadcast_in_dim3A_176 : i32 to vector<16xi32>
      %gather3A_178 = tpu.vector_load_idx %arg6[%add3A_138, %broadcast_in_dim3A_177] : memref<512x16xf32, #tpu.memory_space<vmem>>[vector<16xi32>, vector<16xi32>], vector<16xf32>,
      %exp3A_179 = math.exp %gather3A_178 : vector<16xf32>
      %broadcast_in_dim3A_180 = arith.constant 11 : i32
      %broadcast_in_dim3A_181 = vector.broadcast %broadcast_in_dim3A_180 : i32 to vector<16xi32>
      %gather3A_182 = tpu.vector_load_idx %arg6[%add3A_138, %broadcast_in_dim3A_181] : memref<512x16xf32, #tpu.memory_space<vmem>>[vector<16xi32>, vector<16xi32>], vector<16xf32>,
      %exp3A_183 = math.exp %gather3A_182 : vector<16xf32>
      %broadcast_in_dim3A_184 = arith.constant 12 : i32
      %broadcast_in_dim3A_185 = vector.broadcast %broadcast_in_dim3A_184 : i32 to vector<16xi32>
      %gather3A_186 = tpu.vector_load_idx %arg6[%add3A_138, %broadcast_in_dim3A_185] : memref<512x16xf32, #tpu.memory_space<vmem>>[vector<16xi32>, vector<16xi32>], vector<16xf32>,
      %exp3A_187 = math.exp %gather3A_186 : vector<16xf32>
      %broadcast_in_dim3A_188 = arith.constant 13 : i32
      %broadcast_in_dim3A_189 = vector.broadcast %broadcast_in_dim3A_188 : i32 to vector<16xi32>
      %gather3A_190 = tpu.vector_load_idx %arg6[%add3A_138, %broadcast_in_dim3A_189] : memref<512x16xf32, #tpu.memory_space<vmem>>[vector<16xi32>, vector<16xi32>], vector<16xf32>,
      %exp3A_191 = math.exp %gather3A_190 : vector<16xf32>
      %broadcast_in_dim3A_192 = arith.constant 14 : i32
      %broadcast_in_dim3A_193 = vector.broadcast %broadcast_in_dim3A_192 : i32 to vector<16xi32>
      %gather3A_194 = tpu.vector_load_idx %arg6[%add3A_138, %broadcast_in_dim3A_193] : memref<512x16xf32, #tpu.memory_space<vmem>>[vector<16xi32>, vector<16xi32>], vector<16xf32>,
      %exp3A_195 = math.exp %gather3A_194 : vector<16xf32>
      %broadcast_in_dim3A_196 = arith.constant 15 : i32
      %broadcast_in_dim3A_197 = vector.broadcast %broadcast_in_dim3A_196 : i32 to vector<16xi32>
      %gather3A_198 = tpu.vector_load_idx %arg6[%add3A_138, %broadcast_in_dim3A_197] : memref<512x16xf32, #tpu.memory_space<vmem>>[vector<16xi32>, vector<16xi32>], vector<16xf32>,
      %exp3A_199 = math.exp %gather3A_198 : vector<16xf32>
      %add3A_200 = arith.addf %exp3A, %exp3A_143 : vector<16xf32>
      %add3A_201 = arith.addf %add3A_200, %exp3A_147 : vector<16xf32>
      %add3A_202 = arith.addf %add3A_201, %exp3A_151 : vector<16xf32>
      %add3A_203 = arith.addf %add3A_202, %exp3A_155 : vector<16xf32>
      %add3A_204 = arith.addf %add3A_203, %exp3A_159 : vector<16xf32>
      %add3A_205 = arith.addf %add3A_204, %exp3A_163 : vector<16xf32>
      %add3A_206 = arith.addf %add3A_205, %exp3A_167 : vector<16xf32>
      %add3A_207 = arith.addf %add3A_206, %exp3A_171 : vector<16xf32>
      %add3A_208 = arith.addf %add3A_207, %exp3A_175 : vector<16xf32>
      %add3A_209 = arith.addf %add3A_208, %exp3A_179 : vector<16xf32>
      %add3A_210 = arith.addf %add3A_209, %exp3A_183 : vector<16xf32>
      %add3A_211 = arith.addf %add3A_210, %exp3A_187 : vector<16xf32>
      %add3A_212 = arith.addf %add3A_211, %exp3A_191 : vector<16xf32>
      %add3A_213 = arith.addf %add3A_212, %exp3A_195 : vector<16xf32>
      %add3A_214 = arith.addf %add3A_213, %exp3A_199 : vector<16xf32>
      %div3A = arith.constant 1.000000e+00 : f32
      %div3A_215 = vector.broadcast %div3A : f32 to vector<16xf32>
      %div3A_216 = arith.divf %div3A_215, %add3A_214 : vector<16xf32>
      %mul3A_217 = arith.mulf %exp3A, %div3A_216 : vector<16xf32>
      %mul3A_218 = arith.constant 16 : i32
      %mul3A_219 = arith.muli %scan3A_131, %mul3A_218 : i32
      %swap3A = arith.constant 0 : i32
      %swap3A_220 = arith.constant 3 : i32
      %swap3A_221 = arith.constant 0 : i32
      %swap3A_222 = arith.index_cast %swap3A : i32 to index
      %swap3A_223 = arith.index_cast %swap3A_220 : i32 to index
      %swap3A_224 = arith.index_cast %swap3A_221 : i32 to index
      %swap3A_225 = arith.index_cast %mul3A_219 : i32 to index
      %swap3A_226 = tpu.vector_load %arg7[%swap3A_222, %swap3A_223, %swap3A_224, %swap3A_225] {strides = array<i32>} : memref<2x4x8x128xf32, #tpu.memory_space<vmem>>, vector<16xf32>,
      tpu.vector_store %arg7[%swap3A_222, %swap3A_223, %swap3A_224, %swap3A_225], %mul3A_217 {strides = array<i32>} : memref<2x4x8x128xf32, #tpu.memory_space<vmem>>, vector<16xf32>,
      %mul3A_227 = arith.mulf %exp3A_143, %div3A_216 : vector<16xf32>
      %mul3A_228 = arith.constant 16 : i32
      %mul3A_229 = arith.muli %scan3A_131, %mul3A_228 : i32
      %swap3A_230 = arith.constant 0 : i32
      %swap3A_231 = arith.constant 3 : i32
      %swap3A_232 = arith.constant 1 : i32
      %swap3A_233 = arith.index_cast %swap3A_230 : i32 to index
      %swap3A_234 = arith.index_cast %swap3A_231 : i32 to index
      %swap3A_235 = arith.index_cast %swap3A_232 : i32 to index
      %swap3A_236 = arith.index_cast %mul3A_229 : i32 to index
      %swap3A_237 = tpu.vector_load %arg7[%swap3A_233, %swap3A_234, %swap3A_235, %swap3A_236] {strides = array<i32>} : memref<2x4x8x128xf32, #tpu.memory_space<vmem>>, vector<16xf32>,
      tpu.vector_store %arg7[%swap3A_233, %swap3A_234, %swap3A_235, %swap3A_236], %mul3A_227 {strides = array<i32>} : memref<2x4x8x128xf32, #tpu.memory_space<vmem>>, vector<16xf32>,
      %mul3A_238 = arith.mulf %exp3A_147, %div3A_216 : vector<16xf32>
      %mul3A_239 = arith.constant 16 : i32
      %mul3A_240 = arith.muli %scan3A_131, %mul3A_239 : i32
      %swap3A_241 = arith.constant 0 : i32
      %swap3A_242 = arith.constant 3 : i32
      %swap3A_243 = arith.constant 2 : i32
      %swap3A_244 = arith.index_cast %swap3A_241 : i32 to index
      %swap3A_245 = arith.index_cast %swap3A_242 : i32 to index
      %swap3A_246 = arith.index_cast %swap3A_243 : i32 to index
      %swap3A_247 = arith.index_cast %mul3A_240 : i32 to index
      %swap3A_248 = tpu.vector_load %arg7[%swap3A_244, %swap3A_245, %swap3A_246, %swap3A_247] {strides = array<i32>} : memref<2x4x8x128xf32, #tpu.memory_space<vmem>>, vector<16xf32>,
      tpu.vector_store %arg7[%swap3A_244, %swap3A_245, %swap3A_246, %swap3A_247], %mul3A_238 {strides = array<i32>} : memref<2x4x8x128xf32, #tpu.memory_space<vmem>>, vector<16xf32>,
      %mul3A_249 = arith.mulf %exp3A_151, %div3A_216 : vector<16xf32>
      %mul3A_250 = arith.constant 16 : i32
      %mul3A_251 = arith.muli %scan3A_131, %mul3A_250 : i32
      %swap3A_252 = arith.constant 0 : i32
      %swap3A_253 = arith.constant 3 : i32
      %swap3A_254 = arith.constant 3 : i32
      %swap3A_255 = arith.index_cast %swap3A_252 : i32 to index
      %swap3A_256 = arith.index_cast %swap3A_253 : i32 to index
      %swap3A_257 = arith.index_cast %swap3A_254 : i32 to index
      %swap3A_258 = arith.index_cast %mul3A_251 : i32 to index
      %swap3A_259 = tpu.vector_load %arg7[%swap3A_255, %swap3A_256, %swap3A_257, %swap3A_258] {strides = array<i32>} : memref<2x4x8x128xf32, #tpu.memory_space<vmem>>, vector<16xf32>,
      tpu.vector_store %arg7[%swap3A_255, %swap3A_256, %swap3A_257, %swap3A_258], %mul3A_249 {strides = array<i32>} : memref<2x4x8x128xf32, #tpu.memory_space<vmem>>, vector<16xf32>,
      %mul3A_260 = arith.mulf %exp3A_155, %div3A_216 : vector<16xf32>
      %mul3A_261 = arith.constant 16 : i32
      %mul3A_262 = arith.muli %scan3A_131, %mul3A_261 : i32
      %swap3A_263 = arith.constant 0 : i32
      %swap3A_264 = arith.constant 3 : i32
      %swap3A_265 = arith.constant 4 : i32
      %swap3A_266 = arith.index_cast %swap3A_263 : i32 to index
      %swap3A_267 = arith.index_cast %swap3A_264 : i32 to index
      %swap3A_268 = arith.index_cast %swap3A_265 : i32 to index
      %swap3A_269 = arith.index_cast %mul3A_262 : i32 to index
      %swap3A_270 = tpu.vector_load %arg7[%swap3A_266, %swap3A_267, %swap3A_268, %swap3A_269] {strides = array<i32>} : memref<2x4x8x128xf32, #tpu.memory_space<vmem>>, vector<16xf32>,
      tpu.vector_store %arg7[%swap3A_266, %swap3A_267, %swap3A_268, %swap3A_269], %mul3A_260 {strides = array<i32>} : memref<2x4x8x128xf32, #tpu.memory_space<vmem>>, vector<16xf32>,
      %mul3A_271 = arith.mulf %exp3A_159, %div3A_216 : vector<16xf32>
      %mul3A_272 = arith.constant 16 : i32
      %mul3A_273 = arith.muli %scan3A_131, %mul3A_272 : i32
      %swap3A_274 = arith.constant 0 : i32
      %swap3A_275 = arith.constant 3 : i32
      %swap3A_276 = arith.constant 5 : i32
      %swap3A_277 = arith.index_cast %swap3A_274 : i32 to index
      %swap3A_278 = arith.index_cast %swap3A_275 : i32 to index
      %swap3A_279 = arith.index_cast %swap3A_276 : i32 to index
      %swap3A_280 = arith.index_cast %mul3A_273 : i32 to index
      %swap3A_281 = tpu.vector_load %arg7[%swap3A_277, %swap3A_278, %swap3A_279, %swap3A_280] {strides = array<i32>} : memref<2x4x8x128xf32, #tpu.memory_space<vmem>>, vector<16xf32>,
      tpu.vector_store %arg7[%swap3A_277, %swap3A_278, %swap3A_279, %swap3A_280], %mul3A_271 {strides = array<i32>} : memref<2x4x8x128xf32, #tpu.memory_space<vmem>>, vector<16xf32>,
      %mul3A_282 = arith.mulf %exp3A_163, %div3A_216 : vector<16xf32>
      %mul3A_283 = arith.constant 16 : i32
      %mul3A_284 = arith.muli %scan3A_131, %mul3A_283 : i32
      %swap3A_285 = arith.constant 0 : i32
      %swap3A_286 = arith.constant 3 : i32
      %swap3A_287 = arith.constant 6 : i32
      %swap3A_288 = arith.index_cast %swap3A_285 : i32 to index
      %swap3A_289 = arith.index_cast %swap3A_286 : i32 to index
      %swap3A_290 = arith.index_cast %swap3A_287 : i32 to index
      %swap3A_291 = arith.index_cast %mul3A_284 : i32 to index
      %swap3A_292 = tpu.vector_load %arg7[%swap3A_288, %swap3A_289, %swap3A_290, %swap3A_291] {strides = array<i32>} : memref<2x4x8x128xf32, #tpu.memory_space<vmem>>, vector<16xf32>,
      tpu.vector_store %arg7[%swap3A_288, %swap3A_289, %swap3A_290, %swap3A_291], %mul3A_282 {strides = array<i32>} : memref<2x4x8x128xf32, #tpu.memory_space<vmem>>, vector<16xf32>,
      %mul3A_293 = arith.mulf %exp3A_167, %div3A_216 : vector<16xf32>
      %mul3A_294 = arith.constant 16 : i32
      %mul3A_295 = arith.muli %scan3A_131, %mul3A_294 : i32
      %swap3A_296 = arith.constant 0 : i32
      %swap3A_297 = arith.constant 3 : i32
      %swap3A_298 = arith.constant 7 : i32
      %swap3A_299 = arith.index_cast %swap3A_296 : i32 to index
      %swap3A_300 = arith.index_cast %swap3A_297 : i32 to index
      %swap3A_301 = arith.index_cast %swap3A_298 : i32 to index
      %swap3A_302 = arith.index_cast %mul3A_295 : i32 to index
      %swap3A_303 = tpu.vector_load %arg7[%swap3A_299, %swap3A_300, %swap3A_301, %swap3A_302] {strides = array<i32>} : memref<2x4x8x128xf32, #tpu.memory_space<vmem>>, vector<16xf32>,
      tpu.vector_store %arg7[%swap3A_299, %swap3A_300, %swap3A_301, %swap3A_302], %mul3A_293 {strides = array<i32>} : memref<2x4x8x128xf32, #tpu.memory_space<vmem>>, vector<16xf32>,
      %mul3A_304 = arith.mulf %exp3A_171, %div3A_216 : vector<16xf32>
      %mul3A_305 = arith.constant 16 : i32
      %mul3A_306 = arith.muli %scan3A_131, %mul3A_305 : i32
      %swap3A_307 = arith.constant 1 : i32
      %swap3A_308 = arith.constant 3 : i32
      %swap3A_309 = arith.constant 0 : i32
      %swap3A_310 = arith.index_cast %swap3A_307 : i32 to index
      %swap3A_311 = arith.index_cast %swap3A_308 : i32 to index
      %swap3A_312 = arith.index_cast %swap3A_309 : i32 to index
      %swap3A_313 = arith.index_cast %mul3A_306 : i32 to index
      %swap3A_314 = tpu.vector_load %arg7[%swap3A_310, %swap3A_311, %swap3A_312, %swap3A_313] {strides = array<i32>} : memref<2x4x8x128xf32, #tpu.memory_space<vmem>>, vector<16xf32>,
      tpu.vector_store %arg7[%swap3A_310, %swap3A_311, %swap3A_312, %swap3A_313], %mul3A_304 {strides = array<i32>} : memref<2x4x8x128xf32, #tpu.memory_space<vmem>>, vector<16xf32>,
      %mul3A_315 = arith.mulf %exp3A_175, %div3A_216 : vector<16xf32>
      %mul3A_316 = arith.constant 16 : i32
      %mul3A_317 = arith.muli %scan3A_131, %mul3A_316 : i32
      %swap3A_318 = arith.constant 1 : i32
      %swap3A_319 = arith.constant 3 : i32
      %swap3A_320 = arith.constant 1 : i32
      %swap3A_321 = arith.index_cast %swap3A_318 : i32 to index
      %swap3A_322 = arith.index_cast %swap3A_319 : i32 to index
      %swap3A_323 = arith.index_cast %swap3A_320 : i32 to index
      %swap3A_324 = arith.index_cast %mul3A_317 : i32 to index
      %swap3A_325 = tpu.vector_load %arg7[%swap3A_321, %swap3A_322, %swap3A_323, %swap3A_324] {strides = array<i32>} : memref<2x4x8x128xf32, #tpu.memory_space<vmem>>, vector<16xf32>,
      tpu.vector_store %arg7[%swap3A_321, %swap3A_322, %swap3A_323, %swap3A_324], %mul3A_315 {strides = array<i32>} : memref<2x4x8x128xf32, #tpu.memory_space<vmem>>, vector<16xf32>,
      %mul3A_326 = arith.mulf %exp3A_179, %div3A_216 : vector<16xf32>
      %mul3A_327 = arith.constant 16 : i32
      %mul3A_328 = arith.muli %scan3A_131, %mul3A_327 : i32
      %swap3A_329 = arith.constant 1 : i32
      %swap3A_330 = arith.constant 3 : i32
      %swap3A_331 = arith.constant 2 : i32
      %swap3A_332 = arith.index_cast %swap3A_329 : i32 to index
      %swap3A_333 = arith.index_cast %swap3A_330 : i32 to index
      %swap3A_334 = arith.index_cast %swap3A_331 : i32 to index
      %swap3A_335 = arith.index_cast %mul3A_328 : i32 to index
      %swap3A_336 = tpu.vector_load %arg7[%swap3A_332, %swap3A_333, %swap3A_334, %swap3A_335] {strides = array<i32>} : memref<2x4x8x128xf32, #tpu.memory_space<vmem>>, vector<16xf32>,
      tpu.vector_store %arg7[%swap3A_332, %swap3A_333, %swap3A_334, %swap3A_335], %mul3A_326 {strides = array<i32>} : memref<2x4x8x128xf32, #tpu.memory_space<vmem>>, vector<16xf32>,
      %mul3A_337 = arith.mulf %exp3A_183, %div3A_216 : vector<16xf32>
      %mul3A_338 = arith.constant 16 : i32
      %mul3A_339 = arith.muli %scan3A_131, %mul3A_338 : i32
      %swap3A_340 = arith.constant 1 : i32
      %swap3A_341 = arith.constant 3 : i32
      %swap3A_342 = arith.constant 3 : i32
      %swap3A_343 = arith.index_cast %swap3A_340 : i32 to index
      %swap3A_344 = arith.index_cast %swap3A_341 : i32 to index
      %swap3A_345 = arith.index_cast %swap3A_342 : i32 to index
      %swap3A_346 = arith.index_cast %mul3A_339 : i32 to index
      %swap3A_347 = tpu.vector_load %arg7[%swap3A_343, %swap3A_344, %swap3A_345, %swap3A_346] {strides = array<i32>} : memref<2x4x8x128xf32, #tpu.memory_space<vmem>>, vector<16xf32>,
      tpu.vector_store %arg7[%swap3A_343, %swap3A_344, %swap3A_345, %swap3A_346], %mul3A_337 {strides = array<i32>} : memref<2x4x8x128xf32, #tpu.memory_space<vmem>>, vector<16xf32>,
      %mul3A_348 = arith.mulf %exp3A_187, %div3A_216 : vector<16xf32>
      %mul3A_349 = arith.constant 16 : i32
      %mul3A_350 = arith.muli %scan3A_131, %mul3A_349 : i32
      %swap3A_351 = arith.constant 1 : i32
      %swap3A_352 = arith.constant 3 : i32
      %swap3A_353 = arith.constant 4 : i32
      %swap3A_354 = arith.index_cast %swap3A_351 : i32 to index
      %swap3A_355 = arith.index_cast %swap3A_352 : i32 to index
      %swap3A_356 = arith.index_cast %swap3A_353 : i32 to index
      %swap3A_357 = arith.index_cast %mul3A_350 : i32 to index
      %swap3A_358 = tpu.vector_load %arg7[%swap3A_354, %swap3A_355, %swap3A_356, %swap3A_357] {strides = array<i32>} : memref<2x4x8x128xf32, #tpu.memory_space<vmem>>, vector<16xf32>,
      tpu.vector_store %arg7[%swap3A_354, %swap3A_355, %swap3A_356, %swap3A_357], %mul3A_348 {strides = array<i32>} : memref<2x4x8x128xf32, #tpu.memory_space<vmem>>, vector<16xf32>,
      %mul3A_359 = arith.mulf %exp3A_191, %div3A_216 : vector<16xf32>
      %mul3A_360 = arith.constant 16 : i32
      %mul3A_361 = arith.muli %scan3A_131, %mul3A_360 : i32
      %swap3A_362 = arith.constant 1 : i32
      %swap3A_363 = arith.constant 3 : i32
      %swap3A_364 = arith.constant 5 : i32
      %swap3A_365 = arith.index_cast %swap3A_362 : i32 to index
      %swap3A_366 = arith.index_cast %swap3A_363 : i32 to index
      %swap3A_367 = arith.index_cast %swap3A_364 : i32 to index
      %swap3A_368 = arith.index_cast %mul3A_361 : i32 to index
      %swap3A_369 = tpu.vector_load %arg7[%swap3A_365, %swap3A_366, %swap3A_367, %swap3A_368] {strides = array<i32>} : memref<2x4x8x128xf32, #tpu.memory_space<vmem>>, vector<16xf32>,
      tpu.vector_store %arg7[%swap3A_365, %swap3A_366, %swap3A_367, %swap3A_368], %mul3A_359 {strides = array<i32>} : memref<2x4x8x128xf32, #tpu.memory_space<vmem>>, vector<16xf32>,
      %mul3A_370 = arith.mulf %exp3A_195, %div3A_216 : vector<16xf32>
      %mul3A_371 = arith.constant 16 : i32
      %mul3A_372 = arith.muli %scan3A_131, %mul3A_371 : i32
      %swap3A_373 = arith.constant 1 : i32
      %swap3A_374 = arith.constant 3 : i32
      %swap3A_375 = arith.constant 6 : i32
      %swap3A_376 = arith.index_cast %swap3A_373 : i32 to index
      %swap3A_377 = arith.index_cast %swap3A_374 : i32 to index
      %swap3A_378 = arith.index_cast %swap3A_375 : i32 to index
      %swap3A_379 = arith.index_cast %mul3A_372 : i32 to index
      %swap3A_380 = tpu.vector_load %arg7[%swap3A_376, %swap3A_377, %swap3A_378, %swap3A_379] {strides = array<i32>} : memref<2x4x8x128xf32, #tpu.memory_space<vmem>>, vector<16xf32>,
      tpu.vector_store %arg7[%swap3A_376, %swap3A_377, %swap3A_378, %swap3A_379], %mul3A_370 {strides = array<i32>} : memref<2x4x8x128xf32, #tpu.memory_space<vmem>>, vector<16xf32>,
      %mul3A_381 = arith.mulf %exp3A_199, %div3A_216 : vector<16xf32>
      %mul3A_382 = arith.constant 16 : i32
      %mul3A_383 = arith.muli %scan3A_131, %mul3A_382 : i32
      %swap3A_384 = arith.constant 1 : i32
      %swap3A_385 = arith.constant 3 : i32
      %swap3A_386 = arith.constant 7 : i32
      %swap3A_387 = arith.index_cast %swap3A_384 : i32 to index
      %swap3A_388 = arith.index_cast %swap3A_385 : i32 to index
      %swap3A_389 = arith.index_cast %swap3A_386 : i32 to index
      %swap3A_390 = arith.index_cast %mul3A_383 : i32 to index
      %swap3A_391 = tpu.vector_load %arg7[%swap3A_387, %swap3A_388, %swap3A_389, %swap3A_390] {strides = array<i32>} : memref<2x4x8x128xf32, #tpu.memory_space<vmem>>, vector<16xf32>,
      tpu.vector_store %arg7[%swap3A_387, %swap3A_388, %swap3A_389, %swap3A_390], %mul3A_381 {strides = array<i32>} : memref<2x4x8x128xf32, #tpu.memory_space<vmem>>, vector<16xf32>,
    }
    %scan3A_127 = arith.constant 8 : i32
    %run_scoped3A = arith.constant 0 : i32
    %run_scoped3A_128 = arith.constant 0 : i32
    "tpu.region"() ({
      %run_scoped3A_131 = tpu.sem_alloc : memref<!tpu.dma_semaphore, #tpu.memory_space<semaphore_mem>>
      %dma_start3A_132 = arith.constant 0 : i32
      %dma_start3A_133 = arith.constant 0 : i32
      %dma_start3A_134 = arith.constant 0 : i32
      %dma_start3A_135 = tpu.memref_slice %arg7[%run_scoped3A, %dma_start3A_132, %dma_start3A_133, %dma_start3A_134] : memref<2x4x8x128xf32, #tpu.memory_space<vmem>> -> memref<1x4x8x128xf32, #tpu.memory_space<vmem>>
      %dma_start3A_136 = tpu.memref_squeeze %dma_start3A_135 : memref<1x4x8x128xf32, #tpu.memory_space<vmem>> -> memref<4x8x128xf32, #tpu.memory_space<vmem>>
      %dma_start3A_137 = arith.constant 0 : i32
      %dma_start3A_138 = arith.constant 0 : i32
      %dma_start3A_139 = tpu.memref_slice %arg4[%run_scoped3A_128, %mul3A_2, %dma_start3A_137, %dma_start3A_138] : memref<2x128x8x128xf32, #tpu.memory_space<hbm>> -> memref<1x4x8x128xf32, #tpu.memory_space<hbm>>
      %dma_start3A_140 = tpu.memref_squeeze %dma_start3A_139 : memref<1x4x8x128xf32, #tpu.memory_space<hbm>> -> memref<4x8x128xf32, #tpu.memory_space<hbm>>
      %dma_start3A_141 = arith.constant 0 : i32
      %dma_start3A_142 = arith.constant 0 : i32
      %dma_start3A_143 = tpu.memref_slice %arg4[%run_scoped3A_128, %mul3A_2, %dma_start3A_141, %dma_start3A_142] : memref<2x128x8x128xf32, #tpu.memory_space<hbm>> -> memref<1x4x8x128xf32, #tpu.memory_space<hbm>>
      %dma_start3A_144 = tpu.memref_squeeze %dma_start3A_143 : memref<1x4x8x128xf32, #tpu.memory_space<hbm>> -> memref<4x8x128xf32, #tpu.memory_space<hbm>>
      %dma_start3A_145 = arith.constant 0 : i32
      %dma_start3A_146 = arith.constant 0 : i32
      %dma_start3A_147 = arith.constant 0 : i32
      %dma_start3A_148 = tpu.memref_slice %arg7[%run_scoped3A, %dma_start3A_145, %dma_start3A_146, %dma_start3A_147] : memref<2x4x8x128xf32, #tpu.memory_space<vmem>> -> memref<1x4x8x128xf32, #tpu.memory_space<vmem>>
      %dma_start3A_149 = tpu.memref_squeeze %dma_start3A_148 : memref<1x4x8x128xf32, #tpu.memory_space<vmem>> -> memref<4x8x128xf32, #tpu.memory_space<vmem>>
      tpu.enqueue_dma source(%dma_start3A_149 : memref<4x8x128xf32, #tpu.memory_space<vmem>>) target(%dma_start3A_144 : memref<4x8x128xf32, #tpu.memory_space<hbm>>) target_semaphore(%run_scoped3A_131 : memref<!tpu.dma_semaphore, #tpu.memory_space<semaphore_mem>>)
      %dma_wait3A_150 = arith.constant 0 : i32
      %dma_wait3A_151 = arith.constant 0 : i32
      %dma_wait3A_152 = arith.constant 0 : i32
      %dma_wait3A_153 = tpu.memref_slice %arg7[%run_scoped3A, %dma_wait3A_150, %dma_wait3A_151, %dma_wait3A_152] : memref<2x4x8x128xf32, #tpu.memory_space<vmem>> -> memref<1x4x8x128xf32, #tpu.memory_space<vmem>>
      %dma_wait3A_154 = tpu.memref_squeeze %dma_wait3A_153 : memref<1x4x8x128xf32, #tpu.memory_space<vmem>> -> memref<4x8x128xf32, #tpu.memory_space<vmem>>
      %dma_wait3A_155 = arith.constant 0 : i32
      %dma_wait3A_156 = arith.constant 0 : i32
      %dma_wait3A_157 = tpu.memref_slice %arg4[%run_scoped3A_128, %mul3A_2, %dma_wait3A_155, %dma_wait3A_156] : memref<2x128x8x128xf32, #tpu.memory_space<hbm>> -> memref<1x4x8x128xf32, #tpu.memory_space<hbm>>
      %dma_wait3A_158 = tpu.memref_squeeze %dma_wait3A_157 : memref<1x4x8x128xf32, #tpu.memory_space<hbm>> -> memref<4x8x128xf32, #tpu.memory_space<hbm>>
      %dma_wait3A_159 = arith.constant 0 : i32
      %dma_wait3A_160 = arith.constant 0 : i32
      %dma_wait3A_161 = tpu.memref_slice %arg4[%run_scoped3A_128, %mul3A_2, %dma_wait3A_159, %dma_wait3A_160] : memref<2x128x8x128xf32, #tpu.memory_space<hbm>> -> memref<1x4x8x128xf32, #tpu.memory_space<hbm>>
      %dma_wait3A_162 = tpu.memref_squeeze %dma_wait3A_161 : memref<1x4x8x128xf32, #tpu.memory_space<hbm>> -> memref<4x8x128xf32, #tpu.memory_space<hbm>>
      %dma_wait3A_163 = arith.constant 0 : i32
      %dma_wait3A_164 = arith.constant 0 : i32
      %dma_wait3A_165 = arith.constant 0 : i32
      %dma_wait3A_166 = tpu.memref_slice %arg7[%run_scoped3A, %dma_wait3A_163, %dma_wait3A_164, %dma_wait3A_165] : memref<2x4x8x128xf32, #tpu.memory_space<vmem>> -> memref<1x4x8x128xf32, #tpu.memory_space<vmem>>
      %dma_wait3A_167 = tpu.memref_squeeze %dma_wait3A_166 : memref<1x4x8x128xf32, #tpu.memory_space<vmem>> -> memref<4x8x128xf32, #tpu.memory_space<vmem>>
      tpu.wait_dma2 semaphore(%run_scoped3A_131 : memref<!tpu.dma_semaphore, #tpu.memory_space<semaphore_mem>>) src(%dma_wait3A_167 : memref<4x8x128xf32, #tpu.memory_space<vmem>>) dst(%dma_wait3A_162 : memref<4x8x128xf32, #tpu.memory_space<hbm>>)
      tpu.yield
    }) : () -> ()
    %run_scoped3A_129 = arith.constant 1 : i32
    %run_scoped3A_130 = arith.constant 1 : i32
    "tpu.region"() ({
      %run_scoped3A_131 = tpu.sem_alloc : memref<!tpu.dma_semaphore, #tpu.memory_space<semaphore_mem>>
      %dma_start3A_132 = arith.constant 0 : i32
      %dma_start3A_133 = arith.constant 0 : i32
      %dma_start3A_134 = arith.constant 0 : i32
      %dma_start3A_135 = tpu.memref_slice %arg7[%run_scoped3A_129, %dma_start3A_132, %dma_start3A_133, %dma_start3A_134] : memref<2x4x8x128xf32, #tpu.memory_space<vmem>> -> memref<1x4x8x128xf32, #tpu.memory_space<vmem>>
      %dma_start3A_136 = tpu.memref_squeeze %dma_start3A_135 : memref<1x4x8x128xf32, #tpu.memory_space<vmem>> -> memref<4x8x128xf32, #tpu.memory_space<vmem>>
      %dma_start3A_137 = arith.constant 0 : i32
      %dma_start3A_138 = arith.constant 0 : i32
      %dma_start3A_139 = tpu.memref_slice %arg4[%run_scoped3A_130, %mul3A_2, %dma_start3A_137, %dma_start3A_138] : memref<2x128x8x128xf32, #tpu.memory_space<hbm>> -> memref<1x4x8x128xf32, #tpu.memory_space<hbm>>
      %dma_start3A_140 = tpu.memref_squeeze %dma_start3A_139 : memref<1x4x8x128xf32, #tpu.memory_space<hbm>> -> memref<4x8x128xf32, #tpu.memory_space<hbm>>
      %dma_start3A_141 = arith.constant 0 : i32
      %dma_start3A_142 = arith.constant 0 : i32
      %dma_start3A_143 = tpu.memref_slice %arg4[%run_scoped3A_130, %mul3A_2, %dma_start3A_141, %dma_start3A_142] : memref<2x128x8x128xf32, #tpu.memory_space<hbm>> -> memref<1x4x8x128xf32, #tpu.memory_space<hbm>>
      %dma_start3A_144 = tpu.memref_squeeze %dma_start3A_143 : memref<1x4x8x128xf32, #tpu.memory_space<hbm>> -> memref<4x8x128xf32, #tpu.memory_space<hbm>>
      %dma_start3A_145 = arith.constant 0 : i32
      %dma_start3A_146 = arith.constant 0 : i32
      %dma_start3A_147 = arith.constant 0 : i32
      %dma_start3A_148 = tpu.memref_slice %arg7[%run_scoped3A_129, %dma_start3A_145, %dma_start3A_146, %dma_start3A_147] : memref<2x4x8x128xf32, #tpu.memory_space<vmem>> -> memref<1x4x8x128xf32, #tpu.memory_space<vmem>>
      %dma_start3A_149 = tpu.memref_squeeze %dma_start3A_148 : memref<1x4x8x128xf32, #tpu.memory_space<vmem>> -> memref<4x8x128xf32, #tpu.memory_space<vmem>>
      tpu.enqueue_dma source(%dma_start3A_149 : memref<4x8x128xf32, #tpu.memory_space<vmem>>) target(%dma_start3A_144 : memref<4x8x128xf32, #tpu.memory_space<hbm>>) target_semaphore(%run_scoped3A_131 : memref<!tpu.dma_semaphore, #tpu.memory_space<semaphore_mem>>)
      %dma_wait3A_150 = arith.constant 0 : i32
      %dma_wait3A_151 = arith.constant 0 : i32
      %dma_wait3A_152 = arith.constant 0 : i32
      %dma_wait3A_153 = tpu.memref_slice %arg7[%run_scoped3A_129, %dma_wait3A_150, %dma_wait3A_151, %dma_wait3A_152] : memref<2x4x8x128xf32, #tpu.memory_space<vmem>> -> memref<1x4x8x128xf32, #tpu.memory_space<vmem>>
      %dma_wait3A_154 = tpu.memref_squeeze %dma_wait3A_153 : memref<1x4x8x128xf32, #tpu.memory_space<vmem>> -> memref<4x8x128xf32, #tpu.memory_space<vmem>>
      %dma_wait3A_155 = arith.constant 0 : i32
      %dma_wait3A_156 = arith.constant 0 : i32
      %dma_wait3A_157 = tpu.memref_slice %arg4[%run_scoped3A_130, %mul3A_2, %dma_wait3A_155, %dma_wait3A_156] : memref<2x128x8x128xf32, #tpu.memory_space<hbm>> -> memref<1x4x8x128xf32, #tpu.memory_space<hbm>>
      %dma_wait3A_158 = tpu.memref_squeeze %dma_wait3A_157 : memref<1x4x8x128xf32, #tpu.memory_space<hbm>> -> memref<4x8x128xf32, #tpu.memory_space<hbm>>
      %dma_wait3A_159 = arith.constant 0 : i32
      %dma_wait3A_160 = arith.constant 0 : i32
      %dma_wait3A_161 = tpu.memref_slice %arg4[%run_scoped3A_130, %mul3A_2, %dma_wait3A_159, %dma_wait3A_160] : memref<2x128x8x128xf32, #tpu.memory_space<hbm>> -> memref<1x4x8x128xf32, #tpu.memory_space<hbm>>
      %dma_wait3A_162 = tpu.memref_squeeze %dma_wait3A_161 : memref<1x4x8x128xf32, #tpu.memory_space<hbm>> -> memref<4x8x128xf32, #tpu.memory_space<hbm>>
      %dma_wait3A_163 = arith.constant 0 : i32
      %dma_wait3A_164 = arith.constant 0 : i32
      %dma_wait3A_165 = arith.constant 0 : i32
      %dma_wait3A_166 = tpu.memref_slice %arg7[%run_scoped3A_129, %dma_wait3A_163, %dma_wait3A_164, %dma_wait3A_165] : memref<2x4x8x128xf32, #tpu.memory_space<vmem>> -> memref<1x4x8x128xf32, #tpu.memory_space<vmem>>
      %dma_wait3A_167 = tpu.memref_squeeze %dma_wait3A_166 : memref<1x4x8x128xf32, #tpu.memory_space<vmem>> -> memref<4x8x128xf32, #tpu.memory_space<vmem>>
      tpu.wait_dma2 semaphore(%run_scoped3A_131 : memref<!tpu.dma_semaphore, #tpu.memory_space<semaphore_mem>>) src(%dma_wait3A_167 : memref<4x8x128xf32, #tpu.memory_space<vmem>>) dst(%dma_wait3A_162 : memref<4x8x128xf32, #tpu.memory_space<hbm>>)
      tpu.yield
    }) : () -> ()
    return
  }
}

</mosaic_0001>

<sc_bundles>
// kernel: kernel.3.cloned.1.call-start
scs
__scs_entry_jumppad:
0x0: {  	(pc) =	sbr.rel $0x88, $3  }
0x1: {  	(tag) =	ssettag $0x0;
	lr =	simm.s32 $0x1  }
0x2: {  	[smem:$0x3F9F] =	sst lr;
	_ =	strace $0xD0000000  }
0x3: {  	_ = 	snop  }
0x4: {  	_ = 	snop  }
0x5: {  	_ = 	snop  }
0x6: {  	_ = 	snop  }
0x7: {  	_ = 	snop  }
__scs_overlays_trampoline_lowered:
0x8: {  	[smem:$0x3FAE] =	sst s0  }
0x9: {  	[smem:$0x3FAF] =	sst s1  }
0xa: {  	[smem:$0x3FB0] =	sst s2  }
0xb: {  	[smem:$0x3FB1] =	sst s3  }
0xc: {  	[smem:$0x3FB2] =	sst s4  }
0xd: {  	[smem:$0x3FB3] =	sst s5  }
0xe: {  	[smem:$0x3FB4] =	sst s6  }
0xf: {  	[smem:$0x3FB5] =	sst s7  }
0x10: {  	[smem:$0x3FB6] =	sst s8  }
0x11: {  	[smem:$0x3FB7] =	sst s9;
	s0 =	simm.s32 @!p0 $0x0  }
0x12: {  	s1 =	sld [smem:$0x3F9D];
	s0 =	simm.s32 @p0 $0x1  }
0x13: {  	[smem:$0x3FB8] =	sst s0;
	s0 =	simm.s32 @!p1 $0x0  }
0x14: {  	s2 =	sld [smem:$0x3F9C];
	s0 =	simm.s32 @p1 $0x1  }
0x15: {  	[smem:$0x3FB9] =	sst s0;
	s0 =	simm.s32 @!p2 $0x0  }
0x16: {  	s3 =	sld [smem:$0x3FDB];
	s0 =	simm.s32 @p2 $0x1  }
0x17: {  	s4 =	simm.s32 $0x1BF5;
	[smem:$0x3FBB] =	sst s0  }
0x18: {  	s0 =	sld [smem:$0x3F9E];
	_ =	swait.ge [sflag:s4], $0x0  }
0x19: {  	s7 =	sld [smem:$0x3F9F]  }
0x1a: {  	s8 =	sadd.s32 $0xFFFFE003, lr  }
0x1b: {  	s9 =	sadd.s32 $0xFFFFFEF7, lr;
	s5 =	simm.s32 $0xFFFFFFFF;
	p2 =	slt.u32 s8, $0xFFFFF086  }
0x1c: {  	p1 =	slt.u32 s9, $0xF7A;
	s5 =	simm.s32 @!p2 $0x0  }
0x1d: {  	s5 =	simm.s32 @p1 $0x1;
	p0 =	seq.s32 s7, s2  }
0x1e: {  	s7 =	smul.u32 @!p0 $0xF7A, s2;
	p2 =	seq.s32 @!p0 s5, $0x0  }
0x1f: {  	s9 =	smul.u32 $0xF7A, s1;
	s8 =	simm.s32 @!p0 $0x1BF5;
	p2 =	por !p2, p0  }
0x20: {  	[sflag:s8] =	ssyncset.s32 @!p0 $0xFFFFF086;
	s6 =	sadd.s32 @!p0 s3, s7;
	s7 =	simm.s32 @!p0 $0x108  }
0x21: {  	s3 =	sadd.s32 s3, s9;
	s6 =	sadd.s32 @!p0 $0x88, s6;
	s7 =	simm.s32 @p2 $0x1082  }
0x22: {  	[simem:s7], [sflag:s8] =	dma.local @!p0 [hbm:s6], $0xF7A  }
0x23: {  	s9 =	sor.u32 $0xD0000000, s2;
	s6 =	simm.s32 $0x108;
	_ =	swait.ge @!p0 [sflag:s8], $0x0  }
0x24: {  	s3 =	sadd.s32 $0x88, s3;
	s6 =	simm.s32 @!p1 $0x1082;
	[sflag:s4] =	ssyncset.s32 $0xFFFFF086  }
0x25: {  	[simem:s6], [sflag:s4] =	dma.local [hbm:s3], $0xF7A  }
0x26: {  	[smem:$0x3F9F] =	sst s1;
	(tag) =	ssettag s2;
	_ =	strace s9  }
0x27: {  	s1 =	sld [smem:$0x3FAF]  }
0x28: {  	s2 =	sld [smem:$0x3FB0]  }
0x29: {  	s4 =	sld [smem:$0x3FB2]  }
0x2a: {  	p0 =	seq.s32 s5, $0x0;
	s5 =	sld [smem:$0x3FB3]  }
0x2b: {  	s6 =	sld [smem:$0x3FB4]  }
0x2c: {  	s7 =	sld [smem:$0x3FB5]  }
0x2d: {  	s3 =	simm.s32 $0x108;
	s8 =	sld [smem:$0x3FB6]  }
0x2e: {  	s3 =	simm.s32 @!p0 $0x1082;
	s9 =	sld [smem:$0x3FB7]  }
0x2f: {  	lr =	sadd.s32 s0, s3;
	s0 =	sld [smem:$0x3FAE]  }
0x30: {  	s3 =	sld [smem:$0x3FB1]  }
0x31: {  	[smem:$0x3FBA] =	sst s10  }
0x32: {  	s10 =	sld [smem:$0x3FB8];
	_ =	sdelay $0x3  }
0x33: {  	p0 =	seq.s32 s10, $0x1;
	s10 =	sld [smem:$0x3FBA];
	_ =	sdelay $0x3  }
0x34: {  	[smem:$0x3FBA] =	sst s10  }
0x35: {  	s10 =	sld [smem:$0x3FB9];
	_ =	sdelay $0x3  }
0x36: {  	p1 =	seq.s32 s10, $0x1;
	s10 =	sld [smem:$0x3FBA];
	_ =	sdelay $0x3  }
0x37: {  	[smem:$0x3FBA] =	sst s10  }
0x38: {  	s10 =	sld [smem:$0x3FBB]  }
0x39: {  	_ = 	snop;
	(pc) =	sbr.ind lr, $3  }
0x3a: {  	_ = 	snop  }
0x3b: {  	_ = 	snop  }
0x3c: {  	p2 =	seq.s32 s10, $0x1;
	s10 =	sld [smem:$0x3FBA]  }
0x3d: {  	_ =	shalt  }
0x3e: {  	_ =	shalt  }
0x3f: {  	_ =	shalt  }
0x40: {  	_ =	shalt  }
0x41: {  	_ =	shalt  }
0x42: {  	_ =	shalt  }
0x43: {  	_ =	shalt  }
0x44: {  	_ =	shalt  }
0x45: {  	_ =	shalt  }
0x46: {  	_ =	shalt  }
0x47: {  	_ =	shalt  }
0x48: {  	_ =	shalt  }
0x49: {  	_ =	shalt  }
0x4a: {  	_ =	shalt  }
0x4b: {  	_ =	shalt  }
0x4c: {  	_ =	shalt  }
0x4d: {  	_ =	shalt  }
0x4e: {  	_ =	shalt  }
0x4f: {  	_ =	shalt  }
0x50: {  	_ =	shalt  }
0x51: {  	_ =	shalt  }
0x52: {  	_ =	shalt  }
0x53: {  	_ =	shalt  }
0x54: {  	_ =	shalt  }
0x55: {  	_ =	shalt  }
0x56: {  	_ =	shalt  }
0x57: {  	_ =	shalt  }
0x58: {  	_ =	shalt  }
0x59: {  	_ =	shalt  }
0x5a: {  	_ =	shalt  }
0x5b: {  	_ =	shalt  }
0x5c: {  	_ =	shalt  }
0x5d: {  	_ =	shalt  }
0x5e: {  	_ =	shalt  }
0x5f: {  	_ =	shalt  }
0x60: {  	_ =	shalt  }
0x61: {  	_ =	shalt  }
0x62: {  	_ =	shalt  }
0x63: {  	_ =	shalt  }
0x64: {  	_ =	shalt  }
0x65: {  	_ =	shalt  }
0x66: {  	_ =	shalt  }
0x67: {  	_ =	shalt  }
0x68: {  	_ =	shalt  }
0x69: {  	_ =	shalt  }
0x6a: {  	_ =	shalt  }
0x6b: {  	_ =	shalt  }
0x6c: {  	_ =	shalt  }
0x6d: {  	_ =	shalt  }
0x6e: {  	_ =	shalt  }
0x6f: {  	_ =	shalt  }
0x70: {  	_ =	shalt  }
0x71: {  	_ =	shalt  }
0x72: {  	_ =	shalt  }
0x73: {  	_ =	shalt  }
0x74: {  	_ =	shalt  }
0x75: {  	_ =	shalt  }
0x76: {  	_ =	shalt  }
0x77: {  	_ =	shalt  }
0x78: {  	_ =	shalt  }
0x79: {  	_ =	shalt  }
0x7a: {  	_ =	shalt  }
0x7b: {  	_ =	shalt  }
0x7c: {  	_ =	shalt  }
0x7d: {  	_ =	shalt  }
0x7e: {  	_ =	shalt  }
0x7f: {  	_ =	shalt  }
0x80: {  	_ =	shalt  }
0x81: {  	_ =	shalt  }
0x82: {  	_ =	shalt  }
0x83: {  	_ =	shalt  }
0x84: {  	_ =	shalt  }
0x85: {  	_ =	shalt  }
0x86: {  	_ =	shalt  }
0x87: {  	_ =	shalt  }
.Lfunc_end0:
.L_simem_size_0:
called_computation_lowered:
.L_overlay_start_0:
0x88: {  	s2 =	sld [smem:$0x3FD9]  }
0x89: {  	s3 =	sld [smem:$0x3FFE];
	_ =	sdelay $0x1  }
0x8a: {  	s1 =	srdreg.scid  }
0x8b: {  	s0 =	sand.u32 $0x1, s1  }
0x8c: {  	s18 =	sshll.u32 s0, $0xA;
	s2 =	sadd.s32 s3, s2  }
0x8d: {  	s2 =	sadd.s32 s2, s18  }
0x8e: {  	[smem:$0x3FC6] =	sst s2  }
0x8f: {  	_ = 	snop  }
0x90: {  	s2 =	sld [smem:$0x3FC9]  }
0x91: {  	s19 =	sld [smem:$0x3FC8]  }
0x92: {  	s4 =	sld [smem:$0x3FD0];
	(tm) =	ssettm $0x1  }
0x93: {  	s5 =	sld [smem:$0x3FFB];
	_ =	sdelay $0x3  }
0x94: {  	_ =	strace s5  }
0x95: {  	s5 =	sld [smem:$0x3FFC];
	_ =	sdelay $0x3  }
0x96: {  	_ =	strace s5  }
0x97: {  	s5 =	sld [smem:$0x3FFD];
	_ =	sdelay $0x3  }
0x98: {  	_ =	strace s5  }
0x99: {  	_ =	strace $0x8FFFFFFF  }
0x9a: {  	s20 =	sld [smem:$0x3FDB];
	_ =	sdelay $0x1  }
0x9b: {  	s6 =	simm.s32 $_scs_section_size  }
0x9c: {  	s7 =	simm.s32 $_size__tile_overlayer_lowered;
	s8 =	simm.s32 $_tile_overlayer_lowered  }
0x9d: {  	s23 =	simm.s32 $0x1BFF;
	s22 =	sshll.u32 s8, $0x1;
	s5 =	sadd.s32 s6, s20  }
0x9e: {  	s9 =	simm.s32 $0x0;
	s21 =	sshll.u32 s7, $0x1;
	s7 =	sadd.s32 s22, s5  }
0x9f: {  	[timem:s9], [sflag:s23] =	dma.local [hbm:s7], s21  }
0xa0: {  	_ =	swait.ge [sflag:s23], s21  }
0xa1: {  	s6 =	ssub.s32 $0x0, s21;
	[sflag:s23] =	ssyncset.done $0x0  }
0xa2: {  	[sflag:s23] =	ssyncadd.s32 s6;
	_ =	sdelay $0x1  }
0xa3: {  	s24 =	simm.s32 $0x1B8B  }
0xa4: {  	_ =	swait.ge [sflag:s24], $0x1  }
0xa5: {  	[sflag:s24] =	ssyncset.done $0x0  }
0xa6: {  	s25 =	simm.s32 $0x1B8E;
	[sflag:s24] =	ssyncadd.s32 $0xFFFFFFFF  }
0xa7: {  	s26 =	simm.s32 $execute0_lowered;
	[smem:$0x3FD2] =	sst s25  }
0xa8: {  	s6 =	sshll.u32 s26, $0x1;
	_ =	strace $0x80000046;
	[dreg:$0x1] =	wrdreg $0xFFFFFFFF  }
0xa9: {  	s28 =	simm.s32 $_size_execute0_lowered;
	s5 =	sadd.s32 s5, s6;
	[dreg:$0x0] =	wrdreg $0x0  }
0xaa: {  	s6 =	sshll.u32 s28, $0x1;
	[dreg:$0x2] =	wrdreg s5  }
0xab: {  	[dreg:$0x3] =	wrdreg s6  }
0xac: {  	[dreg:$0x4] =	wrdreg $0xC0  }
0xad: {  	_ =	task [dreg:s9], $0x5FFFF  }
0xae: {  	[dreg:$0x1] =	wrdreg $0xFFFFFFFF  }
0xaf: {  	[dreg:$0x0] =	wrdreg $0x60  }
0xb0: {  	[dreg:$0x2] =	wrdreg s19  }
0xb1: {  	[dreg:$0x3] =	wrdreg s2  }
0xb2: {  	[dreg:$0x4] =	wrdreg s4  }
0xb3: {  	[dreg:$0x5] =	wrdreg $0x9  }
0xb4: {  	_ =	task.clear_ibuf [dreg:s9], $0x6FFFF;
	_ =	strace $0x90000046  }
0xb5: {  	s29 =	simm.s32 $0x9;
	_ =	strace $0x80000048  }
0xb6: {  	_ =	swait.ge [sflag:s29], $0x1  }
0xb7: {  	[sflag:s29] =	ssyncadd.s32 $0xFFFFFFFF  }
0xb8: {  	_ =	strace $0x90000048  }
0xb9: {  	_ =	sfence  }
0xba: {  	s30 =	sld [smem:$0x0];
	_ =	sdelay $0x2  }
0xbb: {  	s31 =	sshll.u32 s1, $0xD;
	s1 =	sshrl.u32 s1, $0x2  }
0xbc: {  	s3 =	sand.u32 $0x4000, s31;
	s1 =	sadd.s32 s1, s30  }
0xbd: {  	s0 =	sor.u32 s3, s0;
	s1 =	sshll.u32 s1, $0x11  }
0xbe: {  	s0 =	sor.u32 s1, s0  }
0xbf: {  	s0 =	sadd.s32 $0x8F2B, s0  }
0xc0: {  	[sflag:s0] =	ssyncadd.remote.s32 $0x1  }
0xc1: {  	_ =	sfence.sel $0xFFFF  }
0xc2: {  	[dreg:$0x0] =	wrdreg $0xFFFFFFFF;
	(pc) =	sbr.abs _section_cstart, $3  }
0xc3: {  	[dreg:$0x1] =	wrdreg $0xFFFFFFFF  }
0xc4: {  	_ =	task.clear_ibuf [dreg:s9], $0x2FFFF;
	_ =	strace $0x9FFFFFFF  }
0xc5: {  	(tm) =	ssettm $0x7FFFFFFF  }
tec
execute0_lowered:
.L_overlay_start_1:
0x0: {  	(tag) =	ssettag $0x1  }
0x1: {  	s1 =	rddreg [dreg:$0x0]  }
0x2: {  	s5 =	rddreg [dreg:$0x1]  }
0x3: {  	s4 =	rddreg [dreg:$0x2];
	s3 =	srdreg.scid  }
0x4: {  	s0 =	rddreg [dreg:$0x3];
	s2 =	stileid.u32;
	s10 =	simm.s32 $0x200  }
0x5: {  	s11 =	simm.s32 $0xA00;
	s12 =	simm.s32 $0x100;
	s13 =	simm.s32 $0x1200  }
0x6: {  	s14 =	simm.s32 $0x180;
	s15 =	simm.s32 $0x1A00;
	s16 =	simm.s32 $0x1  }
0x7: {  	s17 =	simm.s32 $0x2;
	s18 =	simm.s32 $0x3;
	s19 =	simm.s32 $0x4  }
0x8: {  	s20 =	simm.s32 $0x2200;
	s21 =	simm.s32 $0x3200;
	s22 =	simm.s32 $0x0  }
0x9: {  	s6 =	sand.u32 $0x1, s3;
	s3 =	simm.s32 $0x0;
	s7 =	sshll.u32 s2, $0x3  }
0xa: {  	s8 =	sshll.u32 s6, $0x2;
	[smem:$0x7FF] =	sst s3;
	s6 =	ssub.s32 $0x2, s6  }
0xb: {  	v0 =	vlaneseq.u32;
	s7 =	sor.u32 s8, s7;
	_ =	strace $0x80000047;
	s30 =	sshrl.u32 s6, $0x1  }
0xc: {  	v0 =	vmul.u32 $0x10, v0;
	s9 =	sshll.u32 s7, $0x7;
	s8 =	ssub.s32 s6, s30;
	s31 =	sshll.u32 s7, $0x4  }
0xd: {  	s4 =	sadd.s32 s4, s9;
	s5 =	sadd.s32 s5, s31;
	s7 =	smax.u32 s8, $0x1  }
0xe: {  	v1 =	vor.u32 $0x800, v0;
	v2 =	vor.u32 $0x1000, v0;
	v3 =	vor.u32 $0x1800, v0;
	s8 =	simm.s32 $0x5;
	s9 =	simm.s32 $0x80;
	s6 =	sadd.s32 $0x4000, s4  }
.LBB2_1:
0xf: {  	[tilespmem:s3], [sflag:$0x5] =	stream.linear.gather [hbm4b:s5+s3], $0x200, $0x38;
	[tilespmem:$0x4200] =	vst v63  }
0x10: {  	_ =	swait.ge [sflag:s8], $0x200  }
0x11: {  	[sflag:s8] =	ssyncset.done $0x0  }
0x12: {  	[sflag:s8] =	ssyncadd.s32 $0xFFFFFE00  }
0x13: {  	[tilespmem:s10], [sflag:$0x1] =	stream.indirect.gather [hbm4b:s1+s9], $0x10, s3, s9, $0xb8;
	[tilespmem:$0x4200] =	vst v63  }
0x14: {  	_ = 	snop  }
0x15: {  	[tilespmem:s11], [sflag:$0x2] =	stream.indirect.gather [hbm4b:s1+s9], $0x10, s9, s9, $0xb8;
	[tilespmem:$0x4200] =	vst v63  }
0x16: {  	v4 =	vmov s3  }
0x17: {  	v4 =	vshll.u32 v4, $0x4;
	[tilespmem:s13], [sflag:$0x3] =	stream.indirect.gather [hbm4b:s1+s9], $0x10, s12, s9, $0xb8;
	[tilespmem:$0x4200] =	vst v63  }
0x18: {  	v4 =	vor.u32 v0, v4  }
0x19: {  	v5 =	vor.u32 $0x1, v4;
	[tilespmem:s15], [sflag:$0x4] =	stream.indirect.gather [hbm4b:s1+s9], $0x10, s14, s9, $0xb8;
	[tilespmem:$0x4200] =	vst v63  }
0x1a: {  	_ =	swait.ge [sflag:s16], $0x800  }
0x1b: {  	v6 =	vor.u32 $0x2, v4;
	[sflag:s16] =	ssyncset.done $0x0  }
0x1c: {  	[sflag:s16] =	ssyncadd.s32 $0xFFFFF800  }
0x1d: {  	v7 =	vor.u32 $0x3, v4;
	v8 =	vld.idx.msk [tilespmem:v4+s10+$0x0], $0xffff  }
0x1e: {  	v5 =	vld.idx.msk [tilespmem:v5+s10+$0x0], $0xffff  }
0x1f: {  	v9 =	vor.u32 $0x4, v4  }
0x20: {  	v6 =	vld.idx.msk [tilespmem:v6+s10+$0x0], $0xffff  }
0x21: {  	v10 =	vor.u32 $0x5, v4  }
0x22: {  	v7 =	vld.idx.msk [tilespmem:v7+s10+$0x0], $0xffff;
	v8 =	vmul.f32 $1.442695020e+00, v8  }
0x23: {  	v11 =	vor.u32 $0x6, v4;
	v5 =	vmul.f32 $1.442695020e+00, v5  }
0x24: {  	v9 =	vld.idx.msk [tilespmem:v9+s10+$0x0], $0xffff;
	(erf) = vpow2.f32 v8  }
0x25: {  	v6 =	vmul.f32 $1.442695020e+00, v6;
	v8 =	vor.u32 $0x7, v4;
	(erf) = vpow2.f32 v5  }
0x26: {  	v5 =	vld.idx.msk [tilespmem:v10+s10+$0x0], $0xffff;
	v10 =	vor.u32 $0x8, v4  }
0x27: {  	v7 =	vmul.f32 $1.442695020e+00, v7;
	(erf) = vpow2.f32 v6  }
0x28: {  	v6 =	vld.idx.msk [tilespmem:v11+s10+$0x0], $0xffff;
	v11 =	vor.u32 $0x9, v4  }
0x29: {  	v9 =	vmul.f32 $1.442695020e+00, v9;
	(erf) = vpow2.f32 v7  }
0x2a: {  	v7 =	vld.idx.msk [tilespmem:v8+s10+$0x0], $0xffff;
	v8 =	vor.u32 $0xA, v4  }
0x2b: {  	(erf) = vpow2.f32 v9;
	v5 =	vmul.f32 $1.442695020e+00, v5;
	v9 =	vld.idx.msk [tilespmem:v10+s10+$0x0], $0xffff  }
0x2c: {  	v10 =	vor.u32 $0xB, v4  }
0x2d: {  	v6 =	vmul.f32 $1.442695020e+00, v6;
	v11 =	vld.idx.msk [tilespmem:v11+s10+$0x0], $0xffff;
	v12 =	vpop (erf);
	(erf) = vpow2.f32 v5  }
0x2e: {  	v5 =	vor.u32 $0xC, v4;
	v13 =	vpop (erf)  }
0x2f: {  	v7 =	vmul.f32 $1.442695020e+00, v7;
	(erf) = vpow2.f32 v6;
	v8 =	vld.idx.msk [tilespmem:v8+s10+$0x0], $0xffff;
	v14 =	vadd.f32 v13, v12  }
0x30: {  	v6 =	vor.u32 $0xD, v4;
	v15 =	vpop (erf);
	v9 =	vmul.f32 $1.442695020e+00, v9  }
0x31: {  	v10 =	vld.idx.msk [tilespmem:v10+s10+$0x0], $0xffff;
	(erf) = vpow2.f32 v7;
	v14 =	vadd.f32 v15, v14  }
0x32: {  	v7 =	vor.u32 $0xE, v4;
	v16 =	vpop (erf);
	v11 =	vmul.f32 $1.442695020e+00, v11  }
0x33: {  	(erf) = vpow2.f32 v9;
	v5 =	vld.idx.msk [tilespmem:v5+s10+$0x0], $0xffff;
	v14 =	vadd.f32 v16, v14  }
0x34: {  	v4 =	vor.u32 $0xF, v4;
	v9 =	vpop (erf);
	v8 =	vmul.f32 $1.442695020e+00, v8  }
0x35: {  	(erf) = vpow2.f32 v11;
	v6 =	vld.idx.msk [tilespmem:v6+s10+$0x0], $0xffff;
	v14 =	vadd.f32 v9, v14  }
0x36: {  	v10 =	vmul.f32 $1.442695020e+00, v10;
	v11 =	vpop (erf)  }
0x37: {  	v7 =	vld.idx.msk [tilespmem:v7+s10+$0x0], $0xffff;
	(erf) = vpow2.f32 v8;
	v14 =	vadd.f32 v11, v14  }
0x38: {  	v8 =	vpop (erf);
	v5 =	vmul.f32 $1.442695020e+00, v5  }
0x39: {  	v4 =	vld.idx.msk [tilespmem:v4+s10+$0x0], $0xffff;
	(erf) = vpow2.f32 v10;
	v14 =	vadd.f32 v8, v14  }
0x3a: {  	v6 =	vmul.f32 $1.442695020e+00, v6;
	v10 =	vpop (erf)  }
0x3b: {  	(erf) = vpow2.f32 v5;
	v14 =	vadd.f32 v10, v14  }
0x3c: {  	v7 =	vmul.f32 $1.442695020e+00, v7;
	v5 =	vpop (erf)  }
0x3d: {  	(erf) = vpow2.f32 v6;
	v14 =	vadd.f32 v5, v14  }
0x3e: {  	v4 =	vmul.f32 $1.442695020e+00, v4;
	v6 =	vpop (erf)  }
0x3f: {  	(erf) = vpow2.f32 v7;
	v14 =	vadd.f32 v6, v14  }
0x40: {  	v7 =	vpop (erf)  }
0x41: {  	(erf) = vpow2.f32 v4;
	v14 =	vadd.f32 v7, v14  }
0x42: {  	v4 =	vpop (erf)  }
0x43: {  	v14 =	vadd.f32 v4, v14  }
0x44: {  	v17 =	vpop (erf)  }
0x45: {  	v14 =	vadd.f32 v17, v14  }
0x46: {  	v18 =	vpop (erf)  }
0x47: {  	v14 =	vadd.f32 v18, v14  }
0x48: {  	v19 =	vpop (erf)  }
0x49: {  	v14 =	vadd.f32 v19, v14  }
0x4a: {  	v20 =	vpop (erf)  }
0x4b: {  	v14 =	vadd.f32 v20, v14;
	_ =	sdelay $0x1  }
0x4c: {  	(erf) = vrcp.f32 v14;
	_ =	sdelay $0x8  }
0x4d: {  	v14 =	vpop (erf)  }
0x4e: {  	v12 =	vmul.f32 v14, v12  }
0x4f: {  	v13 =	vmul.f32 v14, v13  }
0x50: {  	v15 =	vmul.f32 v14, v15;
	[tilespmem:s21+$0xFFFFF000] =	vst v12  }
0x51: {  	v62 =	vmul.f32 v14, v16;
	[tilespmem:s21+$0xFFFFF080] =	vst v13  }
0x52: {  	v9 =	vmul.f32 v14, v9;
	[tilespmem:s21+$0xFFFFF100] =	vst v15  }
0x53: {  	v11 =	vmul.f32 v14, v11;
	[tilespmem:s21+$0xFFFFF180] =	vst v62  }
0x54: {  	v8 =	vmul.f32 v14, v8;
	[tilespmem:s21+$0xFFFFF200] =	vst v9  }
0x55: {  	v10 =	vmul.f32 v14, v10;
	[tilespmem:s21+$0xFFFFF280] =	vst v11  }
0x56: {  	v63 =	vmul.f32 v14, v6;
	v6 =	vmul.f32 v14, v19;
	[tilespmem:s21+$0xFFFFF300] =	vst v8  }
0x57: {  	v11 =	vmul.f32 v14, v5;
	v9 =	vmul.f32 v14, v7;
	[tilespmem:s21+$0xFFFFF380] =	vst v10  }
0x58: {  	s23 =	simm.s32 $0x10;
	v7 =	vmul.f32 v14, v4;
	v8 =	vmul.f32 v14, v17;
	[tilespmem:s21+$0x80] =	vst v63  }
0x59: {  	s24 =	simm.s32 $0x20;
	v5 =	vmul.f32 v14, v18;
	v4 =	vmul.f32 v14, v20;
	v10 =	vmov s23;
	s23 =	simm.s32 $0x3200;
	[tilespmem:s21+$0x0] =	vst v11  }
.LBB2_2:
0x5a: {  	p0 =	sne.s32 s24, $0x70;
	v10 =	vshll.u32 v10, $0x4;
	[tilespmem:s23+$0x100] =	vst v9  }
0x5b: {  	v9 =	vor.u32 v0, v10;
	[tilespmem:s23+$0x180] =	vst v7  }
0x5c: {  	v7 =	vor.u32 $0x1, v9;
	[tilespmem:s23+$0x200] =	vst v8  }
0x5d: {  	v8 =	vor.u32 $0x2, v9;
	[tilespmem:s23+$0x280] =	vst v5  }
0x5e: {  	v5 =	vor.u32 $0x3, v9;
	[tilespmem:s23+$0x300] =	vst v6  }
0x5f: {  	v6 =	vor.u32 $0x4, v9;
	[tilespmem:s23+$0x380] =	vst v4  }
0x60: {  	v10 =	vor.u32 $0x5, v9;
	v4 =	vld.idx.msk [tilespmem:v9+s10+$0x0], $0xffff  }
0x61: {  	v11 =	vor.u32 $0x6, v9;
	v7 =	vld.idx.msk [tilespmem:v7+s10+$0x0], $0xffff  }
0x62: {  	v12 =	vor.u32 $0x7, v9;
	v8 =	vld.idx.msk [tilespmem:v8+s10+$0x0], $0xffff  }
0x63: {  	v13 =	vor.u32 $0x8, v9;
	v5 =	vld.idx.msk [tilespmem:v5+s10+$0x0], $0xffff  }
0x64: {  	v14 =	vor.u32 $0x9, v9;
	v6 =	vld.idx.msk [tilespmem:v6+s10+$0x0], $0xffff  }
0x65: {  	v15 =	vor.u32 $0xA, v9;
	v10 =	vld.idx.msk [tilespmem:v10+s10+$0x0], $0xffff  }
0x66: {  	v16 =	vor.u32 $0xB, v9;
	v4 =	vmul.f32 $1.442695020e+00, v4;
	v11 =	vld.idx.msk [tilespmem:v11+s10+$0x0], $0xffff  }
0x67: {  	v17 =	vor.u32 $0xC, v9;
	v7 =	vmul.f32 $1.442695020e+00, v7;
	v12 =	vld.idx.msk [tilespmem:v12+s10+$0x0], $0xffff  }
0x68: {  	v18 =	vor.u32 $0xD, v9;
	v13 =	vld.idx.msk [tilespmem:v13+s10+$0x0], $0xffff;
	(erf) = vpow2.f32 v4  }
0x69: {  	v4 =	vmul.f32 $1.442695020e+00, v8;
	v8 =	vld.idx.msk [tilespmem:v14+s10+$0x0], $0xffff;
	v14 =	vor.u32 $0xE, v9;
	(erf) = vpow2.f32 v7  }
0x6a: {  	v9 =	vor.u32 $0xF, v9;
	v7 =	vld.idx.msk [tilespmem:v15+s10+$0x0], $0xffff  }
0x6b: {  	v5 =	vmul.f32 $1.442695020e+00, v5;
	v15 =	vld.idx.msk [tilespmem:v16+s10+$0x0], $0xffff;
	(erf) = vpow2.f32 v4  }
0x6c: {  	v4 =	vld.idx.msk [tilespmem:v17+s10+$0x0], $0xffff  }
0x6d: {  	v6 =	vmul.f32 $1.442695020e+00, v6;
	v16 =	vld.idx.msk [tilespmem:v18+s10+$0x0], $0xffff;
	(erf) = vpow2.f32 v5  }
0x6e: {  	v5 =	vld.idx.msk [tilespmem:v14+s10+$0x0], $0xffff  }
0x6f: {  	v14 =	vmul.f32 $1.442695020e+00, v10;
	v9 =	vld.idx.msk [tilespmem:v9+s10+$0x0], $0xffff;
	(erf) = vpow2.f32 v6;
	_ =	sdelay $0x1  }
0x70: {  	v17 =	vmul.f32 $1.442695020e+00, v11;
	v11 =	vpop (erf);
	(erf) = vpow2.f32 v14  }
0x71: {  	v10 =	vpop (erf)  }
0x72: {  	v18 =	vmul.f32 $1.442695020e+00, v12;
	v14 =	vadd.f32 v10, v11;
	(erf) = vpow2.f32 v17  }
0x73: {  	v6 =	vpop (erf)  }
0x74: {  	v17 =	vmul.f32 $1.442695020e+00, v13;
	v14 =	vadd.f32 v6, v14;
	(erf) = vpow2.f32 v18  }
0x75: {  	v12 =	vpop (erf)  }
0x76: {  	v18 =	vmul.f32 $1.442695020e+00, v8;
	v14 =	vadd.f32 v12, v14;
	(erf) = vpow2.f32 v17  }
0x77: {  	v13 =	vpop (erf)  }
0x78: {  	v17 =	vmul.f32 $1.442695020e+00, v7;
	v14 =	vadd.f32 v13, v14;
	(erf) = vpow2.f32 v18  }
0x79: {  	v8 =	vpop (erf)  }
0x7a: {  	v18 =	vmul.f32 $1.442695020e+00, v15;
	v14 =	vadd.f32 v8, v14;
	(erf) = vpow2.f32 v17  }
0x7b: {  	v7 =	vpop (erf)  }
0x7c: {  	v17 =	vmul.f32 $1.442695020e+00, v4;
	v14 =	vadd.f32 v7, v14;
	(erf) = vpow2.f32 v18  }
0x7d: {  	v15 =	vpop (erf)  }
0x7e: {  	v18 =	vmul.f32 $1.442695020e+00, v16;
	v14 =	vadd.f32 v15, v14;
	(erf) = vpow2.f32 v17  }
0x7f: {  	v4 =	vpop (erf)  }
0x80: {  	v17 =	vmul.f32 $1.442695020e+00, v5;
	v14 =	vadd.f32 v4, v14;
	(erf) = vpow2.f32 v18  }
0x81: {  	v16 =	vpop (erf)  }
0x82: {  	v9 =	vmul.f32 $1.442695020e+00, v9;
	v14 =	vadd.f32 v16, v14;
	(erf) = vpow2.f32 v17  }
0x83: {  	v5 =	vpop (erf)  }
0x84: {  	v18 =	vadd.f32 v5, v14;
	(erf) = vpow2.f32 v9  }
0x85: {  	v17 =	vpop (erf)  }
0x86: {  	v9 =	vadd.f32 v17, v18  }
0x87: {  	v14 =	vpop (erf)  }
0x88: {  	v9 =	vadd.f32 v14, v9  }
0x89: {  	v18 =	vpop (erf)  }
0x8a: {  	v9 =	vadd.f32 v18, v9  }
0x8b: {  	v19 =	vpop (erf)  }
0x8c: {  	v9 =	vadd.f32 v19, v9  }
0x8d: {  	v20 =	vpop (erf)  }
0x8e: {  	v9 =	vadd.f32 v20, v9;
	_ =	sdelay $0x1  }
0x8f: {  	(erf) = vrcp.f32 v9;
	_ =	sdelay $0x8  }
0x90: {  	v21 =	vpop (erf)  }
0x91: {  	v9 =	vmul.f32 v21, v11;
	v10 =	vmul.f32 v21, v10  }
0x92: {  	s23 =	sadd.s32 $0x10, s23;
	v6 =	vmul.f32 v21, v6;
	v11 =	vmul.f32 v21, v12  }
0x93: {  	v12 =	vmul.f32 v21, v13;
	v13 =	vmul.f32 v21, v8;
	[tilespmem:s23+$0xFFFFF000] =	vst v9  }
0x94: {  	v15 =	vmul.f32 v21, v15;
	[tilespmem:s23+$0xFFFFF080] =	vst v10;
	v10 =	vmul.f32 v21, v7  }
0x95: {  	v22 =	vmul.f32 v21, v4;
	v16 =	vmul.f32 v21, v16;
	[tilespmem:s23+$0xFFFFF100] =	vst v6  }
0x96: {  	v9 =	vmul.f32 v21, v5;
	v7 =	vmul.f32 v21, v17;
	[tilespmem:s23+$0xFFFFF180] =	vst v11  }
0x97: {  	v8 =	vmul.f32 v21, v14;
	v5 =	vmul.f32 v21, v18;
	[tilespmem:s23+$0xFFFFF200] =	vst v12  }
.Ltmp0:
0x98: {  	v4 =	vmul.f32 v21, v20;
	v6 =	vmul.f32 v21, v19;
	[tilespmem:s23+$0xFFFFF280] =	vst v13;
	(pc) =	sbr.rel @p0 .LBB2_2-.Ltmp0, $4  }
0x99: {  	[tilespmem:s23+$0xFFFFF300] =	vst v10  }
0x9a: {  	[tilespmem:s23+$0xFFFFF380] =	vst v15  }
0x9b: {  	[tilespmem:s23+$0x0] =	vst v22  }
0x9c: {  	v10 =	vmov s24;
	s24 =	sadd.s32 $0x10, s24;
	[tilespmem:s23+$0x80] =	vst v16  }
0x9d: {  	v10 =	vshll.u32 v10, $0x4;
	[tilespmem:s23+$0x100] =	vst v9  }
0x9e: {  	[tilespmem:s23+$0x180] =	vst v7;
	v9 =	vor.u32 v0, v10  }
0x9f: {  	[tilespmem:s23+$0x200] =	vst v8;
	v7 =	vor.u32 $0x1, v9  }
0xa0: {  	[tilespmem:s23+$0x280] =	vst v5  }
0xa1: {  	[tilespmem:s23+$0x300] =	vst v6;
	v5 =	vor.u32 $0x2, v9  }
0xa2: {  	[tilespmem:s23+$0x380] =	vst v4  }
0xa3: {  	v4 =	vor.u32 $0x3, v9;
	v6 =	vld.idx.msk [tilespmem:v9+s10+$0x0], $0xffff  }
0xa4: {  	v7 =	vld.idx.msk [tilespmem:v7+s10+$0x0], $0xffff  }
0xa5: {  	v8 =	vor.u32 $0x4, v9  }
0xa6: {  	v5 =	vld.idx.msk [tilespmem:v5+s10+$0x0], $0xffff  }
0xa7: {  	v10 =	vor.u32 $0x5, v9  }
0xa8: {  	v4 =	vld.idx.msk [tilespmem:v4+s10+$0x0], $0xffff;
	v6 =	vmul.f32 $1.442695020e+00, v6  }
0xa9: {  	v11 =	vor.u32 $0x6, v9;
	v7 =	vmul.f32 $1.442695020e+00, v7  }
0xaa: {  	v8 =	vld.idx.msk [tilespmem:v8+s10+$0x0], $0xffff;
	(erf) = vpow2.f32 v6  }
0xab: {  	v5 =	vmul.f32 $1.442695020e+00, v5;
	v6 =	vor.u32 $0x7, v9;
	(erf) = vpow2.f32 v7  }
0xac: {  	v7 =	vld.idx.msk [tilespmem:v10+s10+$0x0], $0xffff  }
0xad: {  	v4 =	vmul.f32 $1.442695020e+00, v4;
	v10 =	vor.u32 $0x8, v9;
	(erf) = vpow2.f32 v5  }
0xae: {  	v5 =	vld.idx.msk [tilespmem:v11+s10+$0x0], $0xffff;
	v11 =	vor.u32 $0x9, v9  }
0xaf: {  	v8 =	vmul.f32 $1.442695020e+00, v8;
	(erf) = vpow2.f32 v4  }
0xb0: {  	v4 =	vld.idx.msk [tilespmem:v6+s10+$0x0], $0xffff;
	v6 =	vor.u32 $0xA, v9  }
0xb1: {  	(erf) = vpow2.f32 v8;
	v7 =	vmul.f32 $1.442695020e+00, v7  }
0xb2: {  	v8 =	vld.idx.msk [tilespmem:v10+s10+$0x0], $0xffff;
	v10 =	vor.u32 $0xB, v9  }
0xb3: {  	v5 =	vmul.f32 $1.442695020e+00, v5;
	v11 =	vld.idx.msk [tilespmem:v11+s10+$0x0], $0xffff;
	v12 =	vpop (erf);
	(erf) = vpow2.f32 v7  }
0xb4: {  	v7 =	vor.u32 $0xC, v9;
	v13 =	vpop (erf)  }
0xb5: {  	v4 =	vmul.f32 $1.442695020e+00, v4;
	(erf) = vpow2.f32 v5;
	v6 =	vld.idx.msk [tilespmem:v6+s10+$0x0], $0xffff;
	v14 =	vadd.f32 v13, v12  }
0xb6: {  	v5 =	vor.u32 $0xD, v9;
	v15 =	vpop (erf)  }
0xb7: {  	v8 =	vmul.f32 $1.442695020e+00, v8;
	v10 =	vld.idx.msk [tilespmem:v10+s10+$0x0], $0xffff;
	(erf) = vpow2.f32 v4;
	v14 =	vadd.f32 v15, v14  }
0xb8: {  	v4 =	vor.u32 $0xE, v9;
	v16 =	vpop (erf);
	v11 =	vmul.f32 $1.442695020e+00, v11  }
0xb9: {  	(erf) = vpow2.f32 v8;
	v7 =	vld.idx.msk [tilespmem:v7+s10+$0x0], $0xffff;
	v14 =	vadd.f32 v16, v14  }
0xba: {  	v8 =	vor.u32 $0xF, v9;
	v9 =	vpop (erf);
	v6 =	vmul.f32 $1.442695020e+00, v6  }
0xbb: {  	(erf) = vpow2.f32 v11;
	v5 =	vld.idx.msk [tilespmem:v5+s10+$0x0], $0xffff;
	v14 =	vadd.f32 v9, v14  }
0xbc: {  	v10 =	vmul.f32 $1.442695020e+00, v10;
	v11 =	vpop (erf)  }
0xbd: {  	v4 =	vld.idx.msk [tilespmem:v4+s10+$0x0], $0xffff;
	(erf) = vpow2.f32 v6;
	v14 =	vadd.f32 v11, v14  }
0xbe: {  	v6 =	vpop (erf);
	v7 =	vmul.f32 $1.442695020e+00, v7  }
0xbf: {  	v8 =	vld.idx.msk [tilespmem:v8+s10+$0x0], $0xffff;
	(erf) = vpow2.f32 v10;
	v14 =	vadd.f32 v6, v14  }
0xc0: {  	v5 =	vmul.f32 $1.442695020e+00, v5;
	v10 =	vpop (erf)  }
0xc1: {  	(erf) = vpow2.f32 v7;
	v14 =	vadd.f32 v10, v14  }
0xc2: {  	v4 =	vmul.f32 $1.442695020e+00, v4;
	v7 =	vpop (erf)  }
0xc3: {  	(erf) = vpow2.f32 v5;
	v14 =	vadd.f32 v7, v14  }
0xc4: {  	v8 =	vmul.f32 $1.442695020e+00, v8;
	v5 =	vpop (erf)  }
0xc5: {  	(erf) = vpow2.f32 v4;
	v14 =	vadd.f32 v5, v14  }
0xc6: {  	v4 =	vpop (erf)  }
0xc7: {  	(erf) = vpow2.f32 v8;
	v14 =	vadd.f32 v4, v14  }
0xc8: {  	v8 =	vpop (erf)  }
0xc9: {  	v14 =	vadd.f32 v8, v14  }
0xca: {  	v17 =	vpop (erf)  }
0xcb: {  	v14 =	vadd.f32 v17, v14  }
0xcc: {  	v18 =	vpop (erf)  }
0xcd: {  	v14 =	vadd.f32 v18, v14  }
0xce: {  	v19 =	vpop (erf)  }
0xcf: {  	v14 =	vadd.f32 v19, v14  }
0xd0: {  	v20 =	vpop (erf)  }
0xd1: {  	v14 =	vadd.f32 v20, v14;
	_ =	sdelay $0x1  }
0xd2: {  	(erf) = vrcp.f32 v14;
	_ =	sdelay $0x8  }
0xd3: {  	v14 =	vpop (erf)  }
0xd4: {  	v12 =	vmul.f32 v14, v12  }
0xd5: {  	s30 =	sadd.s32 $0x10, s23;
	v13 =	vmul.f32 v14, v13  }
0xd6: {  	v15 =	vmul.f32 v14, v15;
	[tilespmem:s30+$0xFFFFF000] =	vst v12  }
0xd7: {  	v52 =	vmul.f32 v14, v16;
	[tilespmem:s30+$0xFFFFF080] =	vst v13  }
0xd8: {  	v9 =	vmul.f32 v14, v9;
	[tilespmem:s30+$0xFFFFF100] =	vst v15  }
0xd9: {  	v11 =	vmul.f32 v14, v11;
	[tilespmem:s30+$0xFFFFF180] =	vst v52  }
0xda: {  	v6 =	vmul.f32 v14, v6;
	[tilespmem:s30+$0xFFFFF200] =	vst v9  }
0xdb: {  	v7 =	vmul.f32 v14, v7;
	[tilespmem:s30+$0xFFFFF280] =	vst v11  }
0xdc: {  	v5 =	vmul.f32 v14, v5;
	[tilespmem:s30+$0xFFFFF300] =	vst v6  }
0xdd: {  	v4 =	vmul.f32 v14, v4;
	[tilespmem:s30+$0x0] =	vst v7  }
0xde: {  	v9 =	vmul.f32 v14, v10;
	[tilespmem:s30+$0x80] =	vst v5  }
0xdf: {  	v6 =	vmul.f32 v14, v8;
	[tilespmem:s30+$0x100] =	vst v4  }
0xe0: {  	v5 =	vmul.f32 v14, v17;
	[tilespmem:s30+$0xFFFFF380] =	vst v9  }
0xe1: {  	s24 =	simm.s32 $0x0;
	v4 =	vmul.f32 v14, v18;
	[tilespmem:s30+$0x180] =	vst v6  }
0xe2: {  	v7 =	vmul.f32 v14, v20;
	[tilespmem:s30+$0x200] =	vst v5;
	v5 =	vmov s24  }
0xe3: {  	v6 =	vmul.f32 v14, v19;
	[tilespmem:s30+$0x280] =	vst v4;
	v4 =	vshll.u32 v5, $0x4  }
0xe4: {  	[tilespmem:s30+$0x380] =	vst v7;
	v4 =	vor.u32 v1, v4  }
0xe5: {  	[tilespmem:s30+$0x300] =	vst v6;
	v5 =	vor.u32 $0x1, v4  }
0xe6: {  	_ =	swait.ge [sflag:s17], $0x800  }
0xe7: {  	v6 =	vor.u32 $0x2, v4;
	[sflag:s17] =	ssyncset.done $0x0  }
0xe8: {  	[sflag:s17] =	ssyncadd.s32 $0xFFFFF800  }
0xe9: {  	v7 =	vor.u32 $0x3, v4;
	v8 =	vld.idx.msk [tilespmem:v4+s10+$0x0], $0xffff  }
0xea: {  	v5 =	vld.idx.msk [tilespmem:v5+s10+$0x0], $0xffff  }
0xeb: {  	v9 =	vor.u32 $0x4, v4  }
0xec: {  	v6 =	vld.idx.msk [tilespmem:v6+s10+$0x0], $0xffff  }
0xed: {  	v10 =	vor.u32 $0x5, v4  }
0xee: {  	v7 =	vld.idx.msk [tilespmem:v7+s10+$0x0], $0xffff;
	v8 =	vmul.f32 $1.442695020e+00, v8  }
0xef: {  	v11 =	vor.u32 $0x6, v4;
	v5 =	vmul.f32 $1.442695020e+00, v5  }
0xf0: {  	v9 =	vld.idx.msk [tilespmem:v9+s10+$0x0], $0xffff;
	(erf) = vpow2.f32 v8  }
0xf1: {  	v6 =	vmul.f32 $1.442695020e+00, v6;
	v8 =	vor.u32 $0x7, v4;
	(erf) = vpow2.f32 v5  }
0xf2: {  	v5 =	vld.idx.msk [tilespmem:v10+s10+$0x0], $0xffff;
	v10 =	vor.u32 $0x8, v4  }
0xf3: {  	v7 =	vmul.f32 $1.442695020e+00, v7;
	(erf) = vpow2.f32 v6  }
0xf4: {  	v6 =	vld.idx.msk [tilespmem:v11+s10+$0x0], $0xffff;
	v11 =	vor.u32 $0x9, v4  }
0xf5: {  	v9 =	vmul.f32 $1.442695020e+00, v9;
	(erf) = vpow2.f32 v7  }
0xf6: {  	v7 =	vld.idx.msk [tilespmem:v8+s10+$0x0], $0xffff;
	v8 =	vor.u32 $0xA, v4  }
0xf7: {  	(erf) = vpow2.f32 v9;
	v5 =	vmul.f32 $1.442695020e+00, v5;
	v9 =	vld.idx.msk [tilespmem:v10+s10+$0x0], $0xffff  }
0xf8: {  	v10 =	vor.u32 $0xB, v4  }
0xf9: {  	v6 =	vmul.f32 $1.442695020e+00, v6;
	v11 =	vld.idx.msk [tilespmem:v11+s10+$0x0], $0xffff;
	v53 =	vpop (erf);
	(erf) = vpow2.f32 v5  }
0xfa: {  	v5 =	vor.u32 $0xC, v4;
	v54 =	vpop (erf)  }
0xfb: {  	v7 =	vmul.f32 $1.442695020e+00, v7;
	(erf) = vpow2.f32 v6;
	v8 =	vld.idx.msk [tilespmem:v8+s10+$0x0], $0xffff;
	v55 =	vadd.f32 v54, v53  }
0xfc: {  	v6 =	vor.u32 $0xD, v4;
	v56 =	vpop (erf);
	v9 =	vmul.f32 $1.442695020e+00, v9  }
0xfd: {  	v10 =	vld.idx.msk [tilespmem:v10+s10+$0x0], $0xffff;
	(erf) = vpow2.f32 v7;
	v14 =	vadd.f32 v56, v55  }
0xfe: {  	v7 =	vor.u32 $0xE, v4;
	v57 =	vpop (erf);
	v11 =	vmul.f32 $1.442695020e+00, v11  }
0xff: {  	(erf) = vpow2.f32 v9;
	v5 =	vld.idx.msk [tilespmem:v5+s10+$0x0], $0xffff;
	v14 =	vadd.f32 v57, v14  }
0x100: {  	v4 =	vor.u32 $0xF, v4;
	v9 =	vpop (erf);
	v8 =	vmul.f32 $1.442695020e+00, v8  }
0x101: {  	(erf) = vpow2.f32 v11;
	v6 =	vld.idx.msk [tilespmem:v6+s10+$0x0], $0xffff;
	v14 =	vadd.f32 v9, v14  }
0x102: {  	v10 =	vmul.f32 $1.442695020e+00, v10;
	v11 =	vpop (erf)  }
0x103: {  	v7 =	vld.idx.msk [tilespmem:v7+s10+$0x0], $0xffff;
	(erf) = vpow2.f32 v8;
	v14 =	vadd.f32 v11, v14  }
0x104: {  	v8 =	vpop (erf);
	v5 =	vmul.f32 $1.442695020e+00, v5  }
0x105: {  	v4 =	vld.idx.msk [tilespmem:v4+s10+$0x0], $0xffff;
	(erf) = vpow2.f32 v10;
	v14 =	vadd.f32 v8, v14  }
0x106: {  	v6 =	vmul.f32 $1.442695020e+00, v6;
	v10 =	vpop (erf)  }
0x107: {  	(erf) = vpow2.f32 v5;
	v14 =	vadd.f32 v10, v14  }
0x108: {  	v7 =	vmul.f32 $1.442695020e+00, v7;
	v5 =	vpop (erf)  }
0x109: {  	(erf) = vpow2.f32 v6;
	v14 =	vadd.f32 v5, v14  }
0x10a: {  	v4 =	vmul.f32 $1.442695020e+00, v4;
	v6 =	vpop (erf)  }
0x10b: {  	(erf) = vpow2.f32 v7;
	v14 =	vadd.f32 v6, v14  }
0x10c: {  	v7 =	vpop (erf)  }
0x10d: {  	(erf) = vpow2.f32 v4;
	v14 =	vadd.f32 v7, v14  }
0x10e: {  	v4 =	vpop (erf)  }
0x10f: {  	v14 =	vadd.f32 v4, v14  }
0x110: {  	v58 =	vpop (erf)  }
0x111: {  	v14 =	vadd.f32 v58, v14  }
0x112: {  	v59 =	vpop (erf)  }
0x113: {  	v14 =	vadd.f32 v59, v14  }
0x114: {  	v60 =	vpop (erf)  }
0x115: {  	v14 =	vadd.f32 v60, v14  }
0x116: {  	v61 =	vpop (erf)  }
0x117: {  	v14 =	vadd.f32 v61, v14;
	_ =	sdelay $0x1  }
0x118: {  	(erf) = vrcp.f32 v14;
	_ =	sdelay $0x8  }
0x119: {  	v14 =	vpop (erf)  }
0x11a: {  	v12 =	vmul.f32 v14, v53  }
0x11b: {  	s23 =	simm.s32 $0x3600;
	v13 =	vmul.f32 v14, v54  }
0x11c: {  	v15 =	vmul.f32 v14, v56;
	[tilespmem:s23+$0xFFFFF000] =	vst v12  }
0x11d: {  	v62 =	vmul.f32 v14, v57;
	[tilespmem:s23+$0xFFFFF080] =	vst v13  }
0x11e: {  	v9 =	vmul.f32 v14, v9;
	[tilespmem:s23+$0xFFFFF100] =	vst v15  }
0x11f: {  	v11 =	vmul.f32 v14, v11;
	[tilespmem:s23+$0xFFFFF180] =	vst v62  }
0x120: {  	v8 =	vmul.f32 v14, v8;
	[tilespmem:s23+$0xFFFFF200] =	vst v9  }
0x121: {  	v10 =	vmul.f32 v14, v10;
	[tilespmem:s23+$0xFFFFF280] =	vst v11  }
0x122: {  	v63 =	vmul.f32 v14, v6;
	v6 =	vmul.f32 v14, v60;
	[tilespmem:s23+$0xFFFFF300] =	vst v8  }
0x123: {  	v11 =	vmul.f32 v14, v5;
	v9 =	vmul.f32 v14, v7;
	[tilespmem:s23+$0xFFFFF380] =	vst v10  }
0x124: {  	s31 =	simm.s32 $0x10;
	v7 =	vmul.f32 v14, v4;
	v8 =	vmul.f32 v14, v58;
	[tilespmem:s23+$0x80] =	vst v63  }
0x125: {  	s24 =	simm.s32 $0x20;
	v5 =	vmul.f32 v14, v59;
	v4 =	vmul.f32 v14, v61;
	v10 =	vmov s31;
	[tilespmem:s23+$0x0] =	vst v11  }
.LBB2_4:
0x126: {  	p0 =	sne.s32 s24, $0x70;
	v10 =	vshll.u32 v10, $0x4;
	[tilespmem:s23+$0x100] =	vst v9  }
0x127: {  	v9 =	vor.u32 v1, v10;
	[tilespmem:s23+$0x180] =	vst v7  }
0x128: {  	v7 =	vor.u32 $0x1, v9;
	[tilespmem:s23+$0x200] =	vst v8  }
0x129: {  	v8 =	vor.u32 $0x2, v9;
	[tilespmem:s23+$0x280] =	vst v5  }
0x12a: {  	v5 =	vor.u32 $0x3, v9;
	[tilespmem:s23+$0x300] =	vst v6  }
0x12b: {  	v6 =	vor.u32 $0x4, v9;
	[tilespmem:s23+$0x380] =	vst v4  }
0x12c: {  	v10 =	vor.u32 $0x5, v9;
	v4 =	vld.idx.msk [tilespmem:v9+s10+$0x0], $0xffff  }
0x12d: {  	v11 =	vor.u32 $0x6, v9;
	v7 =	vld.idx.msk [tilespmem:v7+s10+$0x0], $0xffff  }
0x12e: {  	v12 =	vor.u32 $0x7, v9;
	v8 =	vld.idx.msk [tilespmem:v8+s10+$0x0], $0xffff  }
0x12f: {  	v13 =	vor.u32 $0x8, v9;
	v5 =	vld.idx.msk [tilespmem:v5+s10+$0x0], $0xffff  }
0x130: {  	v14 =	vor.u32 $0x9, v9;
	v6 =	vld.idx.msk [tilespmem:v6+s10+$0x0], $0xffff  }
0x131: {  	v15 =	vor.u32 $0xA, v9;
	v10 =	vld.idx.msk [tilespmem:v10+s10+$0x0], $0xffff  }
0x132: {  	v16 =	vor.u32 $0xB, v9;
	v4 =	vmul.f32 $1.442695020e+00, v4;
	v11 =	vld.idx.msk [tilespmem:v11+s10+$0x0], $0xffff  }
0x133: {  	v17 =	vor.u32 $0xC, v9;
	v7 =	vmul.f32 $1.442695020e+00, v7;
	v12 =	vld.idx.msk [tilespmem:v12+s10+$0x0], $0xffff  }
0x134: {  	v18 =	vor.u32 $0xD, v9;
	v13 =	vld.idx.msk [tilespmem:v13+s10+$0x0], $0xffff;
	(erf) = vpow2.f32 v4  }
0x135: {  	v4 =	vmul.f32 $1.442695020e+00, v8;
	v8 =	vld.idx.msk [tilespmem:v14+s10+$0x0], $0xffff;
	v14 =	vor.u32 $0xE, v9;
	(erf) = vpow2.f32 v7  }
0x136: {  	v9 =	vor.u32 $0xF, v9;
	v7 =	vld.idx.msk [tilespmem:v15+s10+$0x0], $0xffff  }
0x137: {  	v5 =	vmul.f32 $1.442695020e+00, v5;
	v15 =	vld.idx.msk [tilespmem:v16+s10+$0x0], $0xffff;
	(erf) = vpow2.f32 v4  }
0x138: {  	v4 =	vld.idx.msk [tilespmem:v17+s10+$0x0], $0xffff  }
0x139: {  	v6 =	vmul.f32 $1.442695020e+00, v6;
	v16 =	vld.idx.msk [tilespmem:v18+s10+$0x0], $0xffff;
	(erf) = vpow2.f32 v5  }
0x13a: {  	v5 =	vld.idx.msk [tilespmem:v14+s10+$0x0], $0xffff  }
0x13b: {  	v14 =	vmul.f32 $1.442695020e+00, v10;
	v9 =	vld.idx.msk [tilespmem:v9+s10+$0x0], $0xffff;
	(erf) = vpow2.f32 v6;
	_ =	sdelay $0x1  }
0x13c: {  	v17 =	vmul.f32 $1.442695020e+00, v11;
	v11 =	vpop (erf);
	(erf) = vpow2.f32 v14  }
0x13d: {  	v10 =	vpop (erf)  }
0x13e: {  	v18 =	vmul.f32 $1.442695020e+00, v12;
	v14 =	vadd.f32 v10, v11;
	(erf) = vpow2.f32 v17  }
0x13f: {  	v6 =	vpop (erf)  }
0x140: {  	v17 =	vmul.f32 $1.442695020e+00, v13;
	v14 =	vadd.f32 v6, v14;
	(erf) = vpow2.f32 v18  }
0x141: {  	v12 =	vpop (erf)  }
0x142: {  	v18 =	vmul.f32 $1.442695020e+00, v8;
	v14 =	vadd.f32 v12, v14;
	(erf) = vpow2.f32 v17  }
0x143: {  	v13 =	vpop (erf)  }
0x144: {  	v17 =	vmul.f32 $1.442695020e+00, v7;
	v14 =	vadd.f32 v13, v14;
	(erf) = vpow2.f32 v18  }
0x145: {  	v8 =	vpop (erf)  }
0x146: {  	v18 =	vmul.f32 $1.442695020e+00, v15;
	v14 =	vadd.f32 v8, v14;
	(erf) = vpow2.f32 v17  }
0x147: {  	v7 =	vpop (erf)  }
0x148: {  	v17 =	vmul.f32 $1.442695020e+00, v4;
	v14 =	vadd.f32 v7, v14;
	(erf) = vpow2.f32 v18  }
0x149: {  	v15 =	vpop (erf)  }
0x14a: {  	v18 =	vmul.f32 $1.442695020e+00, v16;
	v14 =	vadd.f32 v15, v14;
	(erf) = vpow2.f32 v17  }
0x14b: {  	v4 =	vpop (erf)  }
0x14c: {  	v17 =	vmul.f32 $1.442695020e+00, v5;
	v14 =	vadd.f32 v4, v14;
	(erf) = vpow2.f32 v18  }
0x14d: {  	v16 =	vpop (erf)  }
0x14e: {  	v9 =	vmul.f32 $1.442695020e+00, v9;
	v14 =	vadd.f32 v16, v14;
	(erf) = vpow2.f32 v17  }
0x14f: {  	v5 =	vpop (erf)  }
0x150: {  	v18 =	vadd.f32 v5, v14;
	(erf) = vpow2.f32 v9  }
0x151: {  	v17 =	vpop (erf)  }
0x152: {  	v9 =	vadd.f32 v17, v18  }
0x153: {  	v14 =	vpop (erf)  }
0x154: {  	v9 =	vadd.f32 v14, v9  }
0x155: {  	v18 =	vpop (erf)  }
0x156: {  	v9 =	vadd.f32 v18, v9  }
0x157: {  	v19 =	vpop (erf)  }
0x158: {  	v9 =	vadd.f32 v19, v9  }
0x159: {  	v20 =	vpop (erf)  }
0x15a: {  	v9 =	vadd.f32 v20, v9;
	_ =	sdelay $0x1  }
0x15b: {  	(erf) = vrcp.f32 v9;
	_ =	sdelay $0x8  }
0x15c: {  	v21 =	vpop (erf)  }
0x15d: {  	v9 =	vmul.f32 v21, v11;
	v10 =	vmul.f32 v21, v10  }
0x15e: {  	s23 =	sadd.s32 $0x10, s23;
	v6 =	vmul.f32 v21, v6;
	v11 =	vmul.f32 v21, v12  }
0x15f: {  	v12 =	vmul.f32 v21, v13;
	v13 =	vmul.f32 v21, v8;
	[tilespmem:s23+$0xFFFFF000] =	vst v9  }
0x160: {  	v15 =	vmul.f32 v21, v15;
	[tilespmem:s23+$0xFFFFF080] =	vst v10;
	v10 =	vmul.f32 v21, v7  }
0x161: {  	v22 =	vmul.f32 v21, v4;
	v16 =	vmul.f32 v21, v16;
	[tilespmem:s23+$0xFFFFF100] =	vst v6  }
0x162: {  	v9 =	vmul.f32 v21, v5;
	v7 =	vmul.f32 v21, v17;
	[tilespmem:s23+$0xFFFFF180] =	vst v11  }
0x163: {  	v8 =	vmul.f32 v21, v14;
	v5 =	vmul.f32 v21, v18;
	[tilespmem:s23+$0xFFFFF200] =	vst v12  }
.Ltmp1:
0x164: {  	v4 =	vmul.f32 v21, v20;
	v6 =	vmul.f32 v21, v19;
	[tilespmem:s23+$0xFFFFF280] =	vst v13;
	(pc) =	sbr.rel @p0 .LBB2_4-.Ltmp1, $4  }
0x165: {  	[tilespmem:s23+$0xFFFFF300] =	vst v10  }
0x166: {  	[tilespmem:s23+$0xFFFFF380] =	vst v15  }
0x167: {  	[tilespmem:s23+$0x0] =	vst v22  }
0x168: {  	v10 =	vmov s24;
	s24 =	sadd.s32 $0x10, s24;
	[tilespmem:s23+$0x80] =	vst v16  }
0x169: {  	v10 =	vshll.u32 v10, $0x4;
	[tilespmem:s23+$0x100] =	vst v9  }
0x16a: {  	[tilespmem:s23+$0x180] =	vst v7;
	v9 =	vor.u32 v1, v10  }
0x16b: {  	[tilespmem:s23+$0x200] =	vst v8;
	v7 =	vor.u32 $0x1, v9  }
0x16c: {  	[tilespmem:s23+$0x280] =	vst v5  }
0x16d: {  	[tilespmem:s23+$0x300] =	vst v6;
	v5 =	vor.u32 $0x2, v9  }
0x16e: {  	[tilespmem:s23+$0x380] =	vst v4  }
0x16f: {  	v4 =	vor.u32 $0x3, v9;
	v6 =	vld.idx.msk [tilespmem:v9+s10+$0x0], $0xffff  }
0x170: {  	v7 =	vld.idx.msk [tilespmem:v7+s10+$0x0], $0xffff  }
0x171: {  	v8 =	vor.u32 $0x4, v9  }
0x172: {  	v5 =	vld.idx.msk [tilespmem:v5+s10+$0x0], $0xffff  }
0x173: {  	v10 =	vor.u32 $0x5, v9  }
0x174: {  	v4 =	vld.idx.msk [tilespmem:v4+s10+$0x0], $0xffff;
	v6 =	vmul.f32 $1.442695020e+00, v6  }
0x175: {  	v11 =	vor.u32 $0x6, v9;
	v7 =	vmul.f32 $1.442695020e+00, v7  }
0x176: {  	v8 =	vld.idx.msk [tilespmem:v8+s10+$0x0], $0xffff;
	(erf) = vpow2.f32 v6  }
0x177: {  	v5 =	vmul.f32 $1.442695020e+00, v5;
	v6 =	vor.u32 $0x7, v9;
	(erf) = vpow2.f32 v7  }
0x178: {  	v7 =	vld.idx.msk [tilespmem:v10+s10+$0x0], $0xffff  }
0x179: {  	v4 =	vmul.f32 $1.442695020e+00, v4;
	v10 =	vor.u32 $0x8, v9;
	(erf) = vpow2.f32 v5  }
0x17a: {  	v5 =	vld.idx.msk [tilespmem:v11+s10+$0x0], $0xffff;
	v11 =	vor.u32 $0x9, v9  }
0x17b: {  	v8 =	vmul.f32 $1.442695020e+00, v8;
	(erf) = vpow2.f32 v4  }
0x17c: {  	v4 =	vld.idx.msk [tilespmem:v6+s10+$0x0], $0xffff;
	v6 =	vor.u32 $0xA, v9  }
0x17d: {  	(erf) = vpow2.f32 v8;
	v7 =	vmul.f32 $1.442695020e+00, v7  }
0x17e: {  	v8 =	vld.idx.msk [tilespmem:v10+s10+$0x0], $0xffff;
	v10 =	vor.u32 $0xB, v9  }
0x17f: {  	v5 =	vmul.f32 $1.442695020e+00, v5;
	v11 =	vld.idx.msk [tilespmem:v11+s10+$0x0], $0xffff;
	v12 =	vpop (erf);
	(erf) = vpow2.f32 v7  }
0x180: {  	v7 =	vor.u32 $0xC, v9;
	v13 =	vpop (erf)  }
0x181: {  	v4 =	vmul.f32 $1.442695020e+00, v4;
	(erf) = vpow2.f32 v5;
	v6 =	vld.idx.msk [tilespmem:v6+s10+$0x0], $0xffff;
	v14 =	vadd.f32 v13, v12  }
0x182: {  	v5 =	vor.u32 $0xD, v9;
	v15 =	vpop (erf)  }
0x183: {  	v8 =	vmul.f32 $1.442695020e+00, v8;
	v10 =	vld.idx.msk [tilespmem:v10+s10+$0x0], $0xffff;
	(erf) = vpow2.f32 v4;
	v14 =	vadd.f32 v15, v14  }
0x184: {  	v4 =	vor.u32 $0xE, v9;
	v16 =	vpop (erf);
	v11 =	vmul.f32 $1.442695020e+00, v11  }
0x185: {  	(erf) = vpow2.f32 v8;
	v7 =	vld.idx.msk [tilespmem:v7+s10+$0x0], $0xffff;
	v14 =	vadd.f32 v16, v14  }
0x186: {  	v8 =	vor.u32 $0xF, v9;
	v9 =	vpop (erf);
	v6 =	vmul.f32 $1.442695020e+00, v6  }
0x187: {  	(erf) = vpow2.f32 v11;
	v5 =	vld.idx.msk [tilespmem:v5+s10+$0x0], $0xffff;
	v14 =	vadd.f32 v9, v14  }
0x188: {  	v10 =	vmul.f32 $1.442695020e+00, v10;
	v11 =	vpop (erf)  }
0x189: {  	v4 =	vld.idx.msk [tilespmem:v4+s10+$0x0], $0xffff;
	(erf) = vpow2.f32 v6;
	v14 =	vadd.f32 v11, v14  }
0x18a: {  	v6 =	vpop (erf);
	v7 =	vmul.f32 $1.442695020e+00, v7  }
0x18b: {  	v8 =	vld.idx.msk [tilespmem:v8+s10+$0x0], $0xffff;
	(erf) = vpow2.f32 v10;
	v14 =	vadd.f32 v6, v14  }
0x18c: {  	v5 =	vmul.f32 $1.442695020e+00, v5;
	v10 =	vpop (erf)  }
0x18d: {  	(erf) = vpow2.f32 v7;
	v14 =	vadd.f32 v10, v14  }
0x18e: {  	v4 =	vmul.f32 $1.442695020e+00, v4;
	v7 =	vpop (erf)  }
0x18f: {  	(erf) = vpow2.f32 v5;
	v14 =	vadd.f32 v7, v14  }
0x190: {  	v8 =	vmul.f32 $1.442695020e+00, v8;
	v5 =	vpop (erf)  }
0x191: {  	(erf) = vpow2.f32 v4;
	v14 =	vadd.f32 v5, v14  }
0x192: {  	v4 =	vpop (erf)  }
0x193: {  	(erf) = vpow2.f32 v8;
	v14 =	vadd.f32 v4, v14  }
0x194: {  	v8 =	vpop (erf)  }
0x195: {  	v14 =	vadd.f32 v8, v14  }
0x196: {  	v17 =	vpop (erf)  }
0x197: {  	v14 =	vadd.f32 v17, v14  }
0x198: {  	v18 =	vpop (erf)  }
0x199: {  	v14 =	vadd.f32 v18, v14  }
0x19a: {  	v19 =	vpop (erf)  }
0x19b: {  	v14 =	vadd.f32 v19, v14  }
0x19c: {  	v20 =	vpop (erf)  }
0x19d: {  	v14 =	vadd.f32 v20, v14;
	_ =	sdelay $0x1  }
0x19e: {  	(erf) = vrcp.f32 v14;
	_ =	sdelay $0x8  }
0x19f: {  	v14 =	vpop (erf)  }
0x1a0: {  	v12 =	vmul.f32 v14, v12  }
0x1a1: {  	s30 =	sadd.s32 $0x10, s23;
	v13 =	vmul.f32 v14, v13  }
0x1a2: {  	v15 =	vmul.f32 v14, v15;
	[tilespmem:s30+$0xFFFFF000] =	vst v12  }
0x1a3: {  	v52 =	vmul.f32 v14, v16;
	[tilespmem:s30+$0xFFFFF080] =	vst v13  }
0x1a4: {  	v9 =	vmul.f32 v14, v9;
	[tilespmem:s30+$0xFFFFF100] =	vst v15  }
0x1a5: {  	v11 =	vmul.f32 v14, v11;
	[tilespmem:s30+$0xFFFFF180] =	vst v52  }
0x1a6: {  	v6 =	vmul.f32 v14, v6;
	[tilespmem:s30+$0xFFFFF200] =	vst v9  }
0x1a7: {  	v7 =	vmul.f32 v14, v7;
	[tilespmem:s30+$0xFFFFF280] =	vst v11  }
0x1a8: {  	v5 =	vmul.f32 v14, v5;
	[tilespmem:s30+$0xFFFFF300] =	vst v6  }
0x1a9: {  	v4 =	vmul.f32 v14, v4;
	[tilespmem:s30+$0x0] =	vst v7  }
0x1aa: {  	v9 =	vmul.f32 v14, v10;
	[tilespmem:s30+$0x80] =	vst v5  }
0x1ab: {  	v6 =	vmul.f32 v14, v8;
	[tilespmem:s30+$0x100] =	vst v4  }
0x1ac: {  	v5 =	vmul.f32 v14, v17;
	[tilespmem:s30+$0xFFFFF380] =	vst v9  }
0x1ad: {  	s24 =	simm.s32 $0x0;
	v4 =	vmul.f32 v14, v18;
	[tilespmem:s30+$0x180] =	vst v6  }
0x1ae: {  	v7 =	vmul.f32 v14, v20;
	[tilespmem:s30+$0x200] =	vst v5;
	v5 =	vmov s24  }
0x1af: {  	v6 =	vmul.f32 v14, v19;
	[tilespmem:s30+$0x280] =	vst v4;
	v4 =	vshll.u32 v5, $0x4  }
0x1b0: {  	[tilespmem:s30+$0x380] =	vst v7;
	v4 =	vor.u32 v2, v4  }
0x1b1: {  	[tilespmem:s30+$0x300] =	vst v6;
	v5 =	vor.u32 $0x1, v4  }
0x1b2: {  	_ =	swait.ge [sflag:s18], $0x800  }
0x1b3: {  	v6 =	vor.u32 $0x2, v4;
	[sflag:s18] =	ssyncset.done $0x0  }
0x1b4: {  	[sflag:s18] =	ssyncadd.s32 $0xFFFFF800  }
0x1b5: {  	v7 =	vor.u32 $0x3, v4;
	v8 =	vld.idx.msk [tilespmem:v4+s10+$0x0], $0xffff  }
0x1b6: {  	v5 =	vld.idx.msk [tilespmem:v5+s10+$0x0], $0xffff  }
0x1b7: {  	v9 =	vor.u32 $0x4, v4  }
0x1b8: {  	v6 =	vld.idx.msk [tilespmem:v6+s10+$0x0], $0xffff  }
0x1b9: {  	v10 =	vor.u32 $0x5, v4  }
0x1ba: {  	v7 =	vld.idx.msk [tilespmem:v7+s10+$0x0], $0xffff;
	v8 =	vmul.f32 $1.442695020e+00, v8  }
0x1bb: {  	v11 =	vor.u32 $0x6, v4;
	v5 =	vmul.f32 $1.442695020e+00, v5  }
0x1bc: {  	v9 =	vld.idx.msk [tilespmem:v9+s10+$0x0], $0xffff;
	(erf) = vpow2.f32 v8  }
0x1bd: {  	v6 =	vmul.f32 $1.442695020e+00, v6;
	v8 =	vor.u32 $0x7, v4;
	(erf) = vpow2.f32 v5  }
0x1be: {  	v5 =	vld.idx.msk [tilespmem:v10+s10+$0x0], $0xffff;
	v10 =	vor.u32 $0x8, v4  }
0x1bf: {  	v7 =	vmul.f32 $1.442695020e+00, v7;
	(erf) = vpow2.f32 v6  }
0x1c0: {  	v6 =	vld.idx.msk [tilespmem:v11+s10+$0x0], $0xffff;
	v11 =	vor.u32 $0x9, v4  }
0x1c1: {  	v9 =	vmul.f32 $1.442695020e+00, v9;
	(erf) = vpow2.f32 v7  }
0x1c2: {  	v7 =	vld.idx.msk [tilespmem:v8+s10+$0x0], $0xffff;
	v8 =	vor.u32 $0xA, v4  }
0x1c3: {  	(erf) = vpow2.f32 v9;
	v5 =	vmul.f32 $1.442695020e+00, v5;
	v9 =	vld.idx.msk [tilespmem:v10+s10+$0x0], $0xffff  }
0x1c4: {  	v10 =	vor.u32 $0xB, v4  }
0x1c5: {  	v6 =	vmul.f32 $1.442695020e+00, v6;
	v11 =	vld.idx.msk [tilespmem:v11+s10+$0x0], $0xffff;
	v53 =	vpop (erf);
	(erf) = vpow2.f32 v5  }
0x1c6: {  	v5 =	vor.u32 $0xC, v4;
	v54 =	vpop (erf)  }
0x1c7: {  	v7 =	vmul.f32 $1.442695020e+00, v7;
	(erf) = vpow2.f32 v6;
	v8 =	vld.idx.msk [tilespmem:v8+s10+$0x0], $0xffff;
	v55 =	vadd.f32 v54, v53  }
0x1c8: {  	v6 =	vor.u32 $0xD, v4;
	v56 =	vpop (erf);
	v9 =	vmul.f32 $1.442695020e+00, v9  }
0x1c9: {  	v10 =	vld.idx.msk [tilespmem:v10+s10+$0x0], $0xffff;
	(erf) = vpow2.f32 v7;
	v14 =	vadd.f32 v56, v55  }
0x1ca: {  	v7 =	vor.u32 $0xE, v4;
	v57 =	vpop (erf);
	v11 =	vmul.f32 $1.442695020e+00, v11  }
0x1cb: {  	(erf) = vpow2.f32 v9;
	v5 =	vld.idx.msk [tilespmem:v5+s10+$0x0], $0xffff;
	v14 =	vadd.f32 v57, v14  }
0x1cc: {  	v4 =	vor.u32 $0xF, v4;
	v9 =	vpop (erf);
	v8 =	vmul.f32 $1.442695020e+00, v8  }
0x1cd: {  	(erf) = vpow2.f32 v11;
	v6 =	vld.idx.msk [tilespmem:v6+s10+$0x0], $0xffff;
	v14 =	vadd.f32 v9, v14  }
0x1ce: {  	v10 =	vmul.f32 $1.442695020e+00, v10;
	v11 =	vpop (erf)  }
0x1cf: {  	v7 =	vld.idx.msk [tilespmem:v7+s10+$0x0], $0xffff;
	(erf) = vpow2.f32 v8;
	v14 =	vadd.f32 v11, v14  }
0x1d0: {  	v8 =	vpop (erf);
	v5 =	vmul.f32 $1.442695020e+00, v5  }
0x1d1: {  	v4 =	vld.idx.msk [tilespmem:v4+s10+$0x0], $0xffff;
	(erf) = vpow2.f32 v10;
	v14 =	vadd.f32 v8, v14  }
0x1d2: {  	v6 =	vmul.f32 $1.442695020e+00, v6;
	v10 =	vpop (erf)  }
0x1d3: {  	(erf) = vpow2.f32 v5;
	v14 =	vadd.f32 v10, v14  }
0x1d4: {  	v7 =	vmul.f32 $1.442695020e+00, v7;
	v5 =	vpop (erf)  }
0x1d5: {  	(erf) = vpow2.f32 v6;
	v14 =	vadd.f32 v5, v14  }
0x1d6: {  	v4 =	vmul.f32 $1.442695020e+00, v4;
	v6 =	vpop (erf)  }
0x1d7: {  	(erf) = vpow2.f32 v7;
	v14 =	vadd.f32 v6, v14  }
0x1d8: {  	v7 =	vpop (erf)  }
0x1d9: {  	(erf) = vpow2.f32 v4;
	v14 =	vadd.f32 v7, v14  }
0x1da: {  	v4 =	vpop (erf)  }
0x1db: {  	v14 =	vadd.f32 v4, v14  }
0x1dc: {  	v58 =	vpop (erf)  }
0x1dd: {  	v14 =	vadd.f32 v58, v14  }
0x1de: {  	v59 =	vpop (erf)  }
0x1df: {  	v14 =	vadd.f32 v59, v14  }
0x1e0: {  	v60 =	vpop (erf)  }
0x1e1: {  	v14 =	vadd.f32 v60, v14  }
0x1e2: {  	v61 =	vpop (erf)  }
0x1e3: {  	v14 =	vadd.f32 v61, v14;
	_ =	sdelay $0x1  }
0x1e4: {  	(erf) = vrcp.f32 v14;
	_ =	sdelay $0x8  }
0x1e5: {  	v14 =	vpop (erf)  }
0x1e6: {  	v12 =	vmul.f32 v14, v53  }
0x1e7: {  	s23 =	simm.s32 $0x3A00;
	v13 =	vmul.f32 v14, v54  }
0x1e8: {  	v15 =	vmul.f32 v14, v56;
	[tilespmem:s23+$0xFFFFF000] =	vst v12  }
0x1e9: {  	v62 =	vmul.f32 v14, v57;
	[tilespmem:s23+$0xFFFFF080] =	vst v13  }
0x1ea: {  	v9 =	vmul.f32 v14, v9;
	[tilespmem:s23+$0xFFFFF100] =	vst v15  }
0x1eb: {  	v11 =	vmul.f32 v14, v11;
	[tilespmem:s23+$0xFFFFF180] =	vst v62  }
0x1ec: {  	v8 =	vmul.f32 v14, v8;
	[tilespmem:s23+$0xFFFFF200] =	vst v9  }
0x1ed: {  	v10 =	vmul.f32 v14, v10;
	[tilespmem:s23+$0xFFFFF280] =	vst v11  }
0x1ee: {  	v63 =	vmul.f32 v14, v6;
	v6 =	vmul.f32 v14, v60;
	[tilespmem:s23+$0xFFFFF300] =	vst v8  }
0x1ef: {  	v11 =	vmul.f32 v14, v5;
	v9 =	vmul.f32 v14, v7;
	[tilespmem:s23+$0xFFFFF380] =	vst v10  }
0x1f0: {  	s31 =	simm.s32 $0x10;
	v7 =	vmul.f32 v14, v4;
	v8 =	vmul.f32 v14, v58;
	[tilespmem:s23+$0x80] =	vst v63  }
0x1f1: {  	s24 =	simm.s32 $0x20;
	v5 =	vmul.f32 v14, v59;
	v4 =	vmul.f32 v14, v61;
	v10 =	vmov s31;
	[tilespmem:s23+$0x0] =	vst v11  }
.LBB2_6:
0x1f2: {  	p0 =	sne.s32 s24, $0x70;
	v10 =	vshll.u32 v10, $0x4;
	[tilespmem:s23+$0x100] =	vst v9  }
0x1f3: {  	v9 =	vor.u32 v2, v10;
	[tilespmem:s23+$0x180] =	vst v7  }
0x1f4: {  	v7 =	vor.u32 $0x1, v9;
	[tilespmem:s23+$0x200] =	vst v8  }
0x1f5: {  	v8 =	vor.u32 $0x2, v9;
	[tilespmem:s23+$0x280] =	vst v5  }
0x1f6: {  	v5 =	vor.u32 $0x3, v9;
	[tilespmem:s23+$0x300] =	vst v6  }
0x1f7: {  	v6 =	vor.u32 $0x4, v9;
	[tilespmem:s23+$0x380] =	vst v4  }
0x1f8: {  	v10 =	vor.u32 $0x5, v9;
	v4 =	vld.idx.msk [tilespmem:v9+s10+$0x0], $0xffff  }
0x1f9: {  	v11 =	vor.u32 $0x6, v9;
	v7 =	vld.idx.msk [tilespmem:v7+s10+$0x0], $0xffff  }
0x1fa: {  	v12 =	vor.u32 $0x7, v9;
	v8 =	vld.idx.msk [tilespmem:v8+s10+$0x0], $0xffff  }
0x1fb: {  	v13 =	vor.u32 $0x8, v9;
	v5 =	vld.idx.msk [tilespmem:v5+s10+$0x0], $0xffff  }
0x1fc: {  	v14 =	vor.u32 $0x9, v9;
	v6 =	vld.idx.msk [tilespmem:v6+s10+$0x0], $0xffff  }
0x1fd: {  	v15 =	vor.u32 $0xA, v9;
	v10 =	vld.idx.msk [tilespmem:v10+s10+$0x0], $0xffff  }
0x1fe: {  	v16 =	vor.u32 $0xB, v9;
	v4 =	vmul.f32 $1.442695020e+00, v4;
	v11 =	vld.idx.msk [tilespmem:v11+s10+$0x0], $0xffff  }
0x1ff: {  	v17 =	vor.u32 $0xC, v9;
	v7 =	vmul.f32 $1.442695020e+00, v7;
	v12 =	vld.idx.msk [tilespmem:v12+s10+$0x0], $0xffff  }
0x200: {  	v18 =	vor.u32 $0xD, v9;
	v13 =	vld.idx.msk [tilespmem:v13+s10+$0x0], $0xffff;
	(erf) = vpow2.f32 v4  }
0x201: {  	v4 =	vmul.f32 $1.442695020e+00, v8;
	v8 =	vld.idx.msk [tilespmem:v14+s10+$0x0], $0xffff;
	v14 =	vor.u32 $0xE, v9;
	(erf) = vpow2.f32 v7  }
0x202: {  	v9 =	vor.u32 $0xF, v9;
	v7 =	vld.idx.msk [tilespmem:v15+s10+$0x0], $0xffff  }
0x203: {  	v5 =	vmul.f32 $1.442695020e+00, v5;
	v15 =	vld.idx.msk [tilespmem:v16+s10+$0x0], $0xffff;
	(erf) = vpow2.f32 v4  }
0x204: {  	v4 =	vld.idx.msk [tilespmem:v17+s10+$0x0], $0xffff  }
0x205: {  	v6 =	vmul.f32 $1.442695020e+00, v6;
	v16 =	vld.idx.msk [tilespmem:v18+s10+$0x0], $0xffff;
	(erf) = vpow2.f32 v5  }
0x206: {  	v5 =	vld.idx.msk [tilespmem:v14+s10+$0x0], $0xffff  }
0x207: {  	v14 =	vmul.f32 $1.442695020e+00, v10;
	v9 =	vld.idx.msk [tilespmem:v9+s10+$0x0], $0xffff;
	(erf) = vpow2.f32 v6;
	_ =	sdelay $0x1  }
0x208: {  	v17 =	vmul.f32 $1.442695020e+00, v11;
	v11 =	vpop (erf);
	(erf) = vpow2.f32 v14  }
0x209: {  	v10 =	vpop (erf)  }
0x20a: {  	v18 =	vmul.f32 $1.442695020e+00, v12;
	v14 =	vadd.f32 v10, v11;
	(erf) = vpow2.f32 v17  }
0x20b: {  	v6 =	vpop (erf)  }
0x20c: {  	v17 =	vmul.f32 $1.442695020e+00, v13;
	v14 =	vadd.f32 v6, v14;
	(erf) = vpow2.f32 v18  }
0x20d: {  	v12 =	vpop (erf)  }
0x20e: {  	v18 =	vmul.f32 $1.442695020e+00, v8;
	v14 =	vadd.f32 v12, v14;
	(erf) = vpow2.f32 v17  }
0x20f: {  	v13 =	vpop (erf)  }
0x210: {  	v17 =	vmul.f32 $1.442695020e+00, v7;
	v14 =	vadd.f32 v13, v14;
	(erf) = vpow2.f32 v18  }
0x211: {  	v8 =	vpop (erf)  }
0x212: {  	v18 =	vmul.f32 $1.442695020e+00, v15;
	v14 =	vadd.f32 v8, v14;
	(erf) = vpow2.f32 v17  }
0x213: {  	v7 =	vpop (erf)  }
0x214: {  	v17 =	vmul.f32 $1.442695020e+00, v4;
	v14 =	vadd.f32 v7, v14;
	(erf) = vpow2.f32 v18  }
0x215: {  	v15 =	vpop (erf)  }
0x216: {  	v18 =	vmul.f32 $1.442695020e+00, v16;
	v14 =	vadd.f32 v15, v14;
	(erf) = vpow2.f32 v17  }
0x217: {  	v4 =	vpop (erf)  }
0x218: {  	v17 =	vmul.f32 $1.442695020e+00, v5;
	v14 =	vadd.f32 v4, v14;
	(erf) = vpow2.f32 v18  }
0x219: {  	v16 =	vpop (erf)  }
0x21a: {  	v9 =	vmul.f32 $1.442695020e+00, v9;
	v14 =	vadd.f32 v16, v14;
	(erf) = vpow2.f32 v17  }
0x21b: {  	v5 =	vpop (erf)  }
0x21c: {  	v18 =	vadd.f32 v5, v14;
	(erf) = vpow2.f32 v9  }
0x21d: {  	v17 =	vpop (erf)  }
0x21e: {  	v9 =	vadd.f32 v17, v18  }
0x21f: {  	v14 =	vpop (erf)  }
0x220: {  	v9 =	vadd.f32 v14, v9  }
0x221: {  	v18 =	vpop (erf)  }
0x222: {  	v9 =	vadd.f32 v18, v9  }
0x223: {  	v19 =	vpop (erf)  }
0x224: {  	v9 =	vadd.f32 v19, v9  }
0x225: {  	v20 =	vpop (erf)  }
0x226: {  	v9 =	vadd.f32 v20, v9;
	_ =	sdelay $0x1  }
0x227: {  	(erf) = vrcp.f32 v9;
	_ =	sdelay $0x8  }
0x228: {  	v21 =	vpop (erf)  }
0x229: {  	v9 =	vmul.f32 v21, v11;
	v10 =	vmul.f32 v21, v10  }
0x22a: {  	s23 =	sadd.s32 $0x10, s23;
	v6 =	vmul.f32 v21, v6;
	v11 =	vmul.f32 v21, v12  }
0x22b: {  	v12 =	vmul.f32 v21, v13;
	v13 =	vmul.f32 v21, v8;
	[tilespmem:s23+$0xFFFFF000] =	vst v9  }
0x22c: {  	v15 =	vmul.f32 v21, v15;
	[tilespmem:s23+$0xFFFFF080] =	vst v10;
	v10 =	vmul.f32 v21, v7  }
0x22d: {  	v22 =	vmul.f32 v21, v4;
	v16 =	vmul.f32 v21, v16;
	[tilespmem:s23+$0xFFFFF100] =	vst v6  }
0x22e: {  	v9 =	vmul.f32 v21, v5;
	v7 =	vmul.f32 v21, v17;
	[tilespmem:s23+$0xFFFFF180] =	vst v11  }
0x22f: {  	v8 =	vmul.f32 v21, v14;
	v5 =	vmul.f32 v21, v18;
	[tilespmem:s23+$0xFFFFF200] =	vst v12  }
.Ltmp2:
0x230: {  	v4 =	vmul.f32 v21, v20;
	v6 =	vmul.f32 v21, v19;
	[tilespmem:s23+$0xFFFFF280] =	vst v13;
	(pc) =	sbr.rel @p0 .LBB2_6-.Ltmp2, $4  }
0x231: {  	[tilespmem:s23+$0xFFFFF300] =	vst v10  }
0x232: {  	[tilespmem:s23+$0xFFFFF380] =	vst v15  }
0x233: {  	[tilespmem:s23+$0x0] =	vst v22  }
0x234: {  	v10 =	vmov s24;
	s24 =	sadd.s32 $0x10, s24;
	[tilespmem:s23+$0x80] =	vst v16  }
0x235: {  	v10 =	vshll.u32 v10, $0x4;
	[tilespmem:s23+$0x100] =	vst v9  }
0x236: {  	[tilespmem:s23+$0x180] =	vst v7;
	v9 =	vor.u32 v2, v10  }
0x237: {  	[tilespmem:s23+$0x200] =	vst v8;
	v7 =	vor.u32 $0x1, v9  }
0x238: {  	[tilespmem:s23+$0x280] =	vst v5  }
0x239: {  	[tilespmem:s23+$0x300] =	vst v6;
	v5 =	vor.u32 $0x2, v9  }
0x23a: {  	[tilespmem:s23+$0x380] =	vst v4  }
0x23b: {  	v4 =	vor.u32 $0x3, v9;
	v6 =	vld.idx.msk [tilespmem:v9+s10+$0x0], $0xffff  }
0x23c: {  	v7 =	vld.idx.msk [tilespmem:v7+s10+$0x0], $0xffff  }
0x23d: {  	v8 =	vor.u32 $0x4, v9  }
0x23e: {  	v5 =	vld.idx.msk [tilespmem:v5+s10+$0x0], $0xffff  }
0x23f: {  	v10 =	vor.u32 $0x5, v9  }
0x240: {  	v4 =	vld.idx.msk [tilespmem:v4+s10+$0x0], $0xffff;
	v6 =	vmul.f32 $1.442695020e+00, v6  }
0x241: {  	v11 =	vor.u32 $0x6, v9;
	v7 =	vmul.f32 $1.442695020e+00, v7  }
0x242: {  	v8 =	vld.idx.msk [tilespmem:v8+s10+$0x0], $0xffff;
	(erf) = vpow2.f32 v6  }
0x243: {  	v5 =	vmul.f32 $1.442695020e+00, v5;
	v6 =	vor.u32 $0x7, v9;
	(erf) = vpow2.f32 v7  }
0x244: {  	v7 =	vld.idx.msk [tilespmem:v10+s10+$0x0], $0xffff  }
0x245: {  	v4 =	vmul.f32 $1.442695020e+00, v4;
	v10 =	vor.u32 $0x8, v9;
	(erf) = vpow2.f32 v5  }
0x246: {  	v5 =	vld.idx.msk [tilespmem:v11+s10+$0x0], $0xffff;
	v11 =	vor.u32 $0x9, v9  }
0x247: {  	v8 =	vmul.f32 $1.442695020e+00, v8;
	(erf) = vpow2.f32 v4  }
0x248: {  	v4 =	vld.idx.msk [tilespmem:v6+s10+$0x0], $0xffff;
	v6 =	vor.u32 $0xA, v9  }
0x249: {  	(erf) = vpow2.f32 v8;
	v7 =	vmul.f32 $1.442695020e+00, v7  }
0x24a: {  	v8 =	vld.idx.msk [tilespmem:v10+s10+$0x0], $0xffff;
	v10 =	vor.u32 $0xB, v9  }
0x24b: {  	v5 =	vmul.f32 $1.442695020e+00, v5;
	v11 =	vld.idx.msk [tilespmem:v11+s10+$0x0], $0xffff;
	v12 =	vpop (erf);
	(erf) = vpow2.f32 v7  }
0x24c: {  	v7 =	vor.u32 $0xC, v9;
	v13 =	vpop (erf)  }
0x24d: {  	v4 =	vmul.f32 $1.442695020e+00, v4;
	(erf) = vpow2.f32 v5;
	v6 =	vld.idx.msk [tilespmem:v6+s10+$0x0], $0xffff;
	v14 =	vadd.f32 v13, v12  }
0x24e: {  	v5 =	vor.u32 $0xD, v9;
	v15 =	vpop (erf)  }
0x24f: {  	v8 =	vmul.f32 $1.442695020e+00, v8;
	v10 =	vld.idx.msk [tilespmem:v10+s10+$0x0], $0xffff;
	(erf) = vpow2.f32 v4;
	v14 =	vadd.f32 v15, v14  }
0x250: {  	v4 =	vor.u32 $0xE, v9;
	v16 =	vpop (erf);
	v11 =	vmul.f32 $1.442695020e+00, v11  }
0x251: {  	(erf) = vpow2.f32 v8;
	v7 =	vld.idx.msk [tilespmem:v7+s10+$0x0], $0xffff;
	v14 =	vadd.f32 v16, v14  }
0x252: {  	v8 =	vor.u32 $0xF, v9;
	v9 =	vpop (erf);
	v6 =	vmul.f32 $1.442695020e+00, v6  }
0x253: {  	(erf) = vpow2.f32 v11;
	v5 =	vld.idx.msk [tilespmem:v5+s10+$0x0], $0xffff;
	v14 =	vadd.f32 v9, v14  }
0x254: {  	v10 =	vmul.f32 $1.442695020e+00, v10;
	v11 =	vpop (erf)  }
0x255: {  	v4 =	vld.idx.msk [tilespmem:v4+s10+$0x0], $0xffff;
	(erf) = vpow2.f32 v6;
	v14 =	vadd.f32 v11, v14  }
0x256: {  	v6 =	vpop (erf);
	v7 =	vmul.f32 $1.442695020e+00, v7  }
0x257: {  	v8 =	vld.idx.msk [tilespmem:v8+s10+$0x0], $0xffff;
	(erf) = vpow2.f32 v10;
	v14 =	vadd.f32 v6, v14  }
0x258: {  	v5 =	vmul.f32 $1.442695020e+00, v5;
	v10 =	vpop (erf)  }
0x259: {  	(erf) = vpow2.f32 v7;
	v14 =	vadd.f32 v10, v14  }
0x25a: {  	v4 =	vmul.f32 $1.442695020e+00, v4;
	v7 =	vpop (erf)  }
0x25b: {  	(erf) = vpow2.f32 v5;
	v14 =	vadd.f32 v7, v14  }
0x25c: {  	v8 =	vmul.f32 $1.442695020e+00, v8;
	v5 =	vpop (erf)  }
0x25d: {  	(erf) = vpow2.f32 v4;
	v14 =	vadd.f32 v5, v14  }
0x25e: {  	v4 =	vpop (erf)  }
0x25f: {  	(erf) = vpow2.f32 v8;
	v14 =	vadd.f32 v4, v14  }
0x260: {  	v8 =	vpop (erf)  }
0x261: {  	v14 =	vadd.f32 v8, v14  }
0x262: {  	v17 =	vpop (erf)  }
0x263: {  	v14 =	vadd.f32 v17, v14  }
0x264: {  	v18 =	vpop (erf)  }
0x265: {  	v14 =	vadd.f32 v18, v14  }
0x266: {  	v19 =	vpop (erf)  }
0x267: {  	v14 =	vadd.f32 v19, v14  }
0x268: {  	v20 =	vpop (erf)  }
0x269: {  	v14 =	vadd.f32 v20, v14;
	_ =	sdelay $0x1  }
0x26a: {  	(erf) = vrcp.f32 v14;
	_ =	sdelay $0x8  }
0x26b: {  	v14 =	vpop (erf)  }
0x26c: {  	v12 =	vmul.f32 v14, v12  }
0x26d: {  	s30 =	sadd.s32 $0x10, s23;
	v13 =	vmul.f32 v14, v13  }
0x26e: {  	v15 =	vmul.f32 v14, v15;
	[tilespmem:s30+$0xFFFFF000] =	vst v12  }
0x26f: {  	v52 =	vmul.f32 v14, v16;
	[tilespmem:s30+$0xFFFFF080] =	vst v13  }
0x270: {  	v9 =	vmul.f32 v14, v9;
	[tilespmem:s30+$0xFFFFF100] =	vst v15  }
0x271: {  	v11 =	vmul.f32 v14, v11;
	[tilespmem:s30+$0xFFFFF180] =	vst v52  }
0x272: {  	v6 =	vmul.f32 v14, v6;
	[tilespmem:s30+$0xFFFFF200] =	vst v9  }
0x273: {  	v7 =	vmul.f32 v14, v7;
	[tilespmem:s30+$0xFFFFF280] =	vst v11  }
0x274: {  	v5 =	vmul.f32 v14, v5;
	[tilespmem:s30+$0xFFFFF300] =	vst v6  }
0x275: {  	v4 =	vmul.f32 v14, v4;
	[tilespmem:s30+$0x0] =	vst v7  }
0x276: {  	v9 =	vmul.f32 v14, v10;
	[tilespmem:s30+$0x80] =	vst v5  }
0x277: {  	v6 =	vmul.f32 v14, v8;
	[tilespmem:s30+$0x100] =	vst v4  }
0x278: {  	v5 =	vmul.f32 v14, v17;
	[tilespmem:s30+$0xFFFFF380] =	vst v9  }
0x279: {  	s24 =	simm.s32 $0x0;
	v4 =	vmul.f32 v14, v18;
	[tilespmem:s30+$0x180] =	vst v6  }
0x27a: {  	v7 =	vmul.f32 v14, v20;
	[tilespmem:s30+$0x200] =	vst v5;
	v5 =	vmov s24  }
0x27b: {  	v6 =	vmul.f32 v14, v19;
	[tilespmem:s30+$0x280] =	vst v4;
	v4 =	vshll.u32 v5, $0x4  }
0x27c: {  	[tilespmem:s30+$0x380] =	vst v7;
	v4 =	vor.u32 v3, v4  }
0x27d: {  	[tilespmem:s30+$0x300] =	vst v6;
	v5 =	vor.u32 $0x1, v4  }
0x27e: {  	_ =	swait.ge [sflag:s19], $0x800  }
0x27f: {  	v6 =	vor.u32 $0x2, v4;
	[sflag:s19] =	ssyncset.done $0x0  }
0x280: {  	[sflag:s19] =	ssyncadd.s32 $0xFFFFF800  }
0x281: {  	v7 =	vor.u32 $0x3, v4;
	v8 =	vld.idx.msk [tilespmem:v4+s10+$0x0], $0xffff  }
0x282: {  	v5 =	vld.idx.msk [tilespmem:v5+s10+$0x0], $0xffff  }
0x283: {  	v9 =	vor.u32 $0x4, v4  }
0x284: {  	v6 =	vld.idx.msk [tilespmem:v6+s10+$0x0], $0xffff  }
0x285: {  	v10 =	vor.u32 $0x5, v4  }
0x286: {  	v7 =	vld.idx.msk [tilespmem:v7+s10+$0x0], $0xffff;
	v8 =	vmul.f32 $1.442695020e+00, v8  }
0x287: {  	v11 =	vor.u32 $0x6, v4;
	v5 =	vmul.f32 $1.442695020e+00, v5  }
0x288: {  	v9 =	vld.idx.msk [tilespmem:v9+s10+$0x0], $0xffff;
	(erf) = vpow2.f32 v8  }
0x289: {  	v6 =	vmul.f32 $1.442695020e+00, v6;
	v8 =	vor.u32 $0x7, v4;
	(erf) = vpow2.f32 v5  }
0x28a: {  	v5 =	vld.idx.msk [tilespmem:v10+s10+$0x0], $0xffff;
	v10 =	vor.u32 $0x8, v4  }
0x28b: {  	v7 =	vmul.f32 $1.442695020e+00, v7;
	(erf) = vpow2.f32 v6  }
0x28c: {  	v6 =	vld.idx.msk [tilespmem:v11+s10+$0x0], $0xffff;
	v11 =	vor.u32 $0x9, v4  }
0x28d: {  	v9 =	vmul.f32 $1.442695020e+00, v9;
	(erf) = vpow2.f32 v7  }
0x28e: {  	v7 =	vld.idx.msk [tilespmem:v8+s10+$0x0], $0xffff;
	v8 =	vor.u32 $0xA, v4  }
0x28f: {  	(erf) = vpow2.f32 v9;
	v5 =	vmul.f32 $1.442695020e+00, v5;
	v9 =	vld.idx.msk [tilespmem:v10+s10+$0x0], $0xffff  }
0x290: {  	v10 =	vor.u32 $0xB, v4  }
0x291: {  	v6 =	vmul.f32 $1.442695020e+00, v6;
	v11 =	vld.idx.msk [tilespmem:v11+s10+$0x0], $0xffff;
	v53 =	vpop (erf);
	(erf) = vpow2.f32 v5  }
0x292: {  	v5 =	vor.u32 $0xC, v4;
	v54 =	vpop (erf)  }
0x293: {  	v7 =	vmul.f32 $1.442695020e+00, v7;
	(erf) = vpow2.f32 v6;
	v8 =	vld.idx.msk [tilespmem:v8+s10+$0x0], $0xffff;
	v55 =	vadd.f32 v54, v53  }
0x294: {  	v6 =	vor.u32 $0xD, v4;
	v56 =	vpop (erf);
	v9 =	vmul.f32 $1.442695020e+00, v9  }
0x295: {  	v10 =	vld.idx.msk [tilespmem:v10+s10+$0x0], $0xffff;
	(erf) = vpow2.f32 v7;
	v14 =	vadd.f32 v56, v55  }
0x296: {  	v7 =	vor.u32 $0xE, v4;
	v57 =	vpop (erf);
	v11 =	vmul.f32 $1.442695020e+00, v11  }
0x297: {  	(erf) = vpow2.f32 v9;
	v5 =	vld.idx.msk [tilespmem:v5+s10+$0x0], $0xffff;
	v14 =	vadd.f32 v57, v14  }
0x298: {  	v4 =	vor.u32 $0xF, v4;
	v9 =	vpop (erf);
	v8 =	vmul.f32 $1.442695020e+00, v8  }
0x299: {  	(erf) = vpow2.f32 v11;
	v6 =	vld.idx.msk [tilespmem:v6+s10+$0x0], $0xffff;
	v14 =	vadd.f32 v9, v14  }
0x29a: {  	v10 =	vmul.f32 $1.442695020e+00, v10;
	v11 =	vpop (erf)  }
0x29b: {  	v7 =	vld.idx.msk [tilespmem:v7+s10+$0x0], $0xffff;
	(erf) = vpow2.f32 v8;
	v14 =	vadd.f32 v11, v14  }
0x29c: {  	v8 =	vpop (erf);
	v5 =	vmul.f32 $1.442695020e+00, v5  }
0x29d: {  	v4 =	vld.idx.msk [tilespmem:v4+s10+$0x0], $0xffff;
	(erf) = vpow2.f32 v10;
	v14 =	vadd.f32 v8, v14  }
0x29e: {  	v6 =	vmul.f32 $1.442695020e+00, v6;
	v10 =	vpop (erf)  }
0x29f: {  	(erf) = vpow2.f32 v5;
	v14 =	vadd.f32 v10, v14  }
0x2a0: {  	v7 =	vmul.f32 $1.442695020e+00, v7;
	v5 =	vpop (erf)  }
0x2a1: {  	(erf) = vpow2.f32 v6;
	v14 =	vadd.f32 v5, v14  }
0x2a2: {  	v4 =	vmul.f32 $1.442695020e+00, v4;
	v6 =	vpop (erf)  }
0x2a3: {  	(erf) = vpow2.f32 v7;
	v14 =	vadd.f32 v6, v14  }
0x2a4: {  	v7 =	vpop (erf)  }
0x2a5: {  	(erf) = vpow2.f32 v4;
	v14 =	vadd.f32 v7, v14  }
0x2a6: {  	v4 =	vpop (erf)  }
0x2a7: {  	v14 =	vadd.f32 v4, v14  }
0x2a8: {  	v58 =	vpop (erf)  }
0x2a9: {  	v14 =	vadd.f32 v58, v14  }
0x2aa: {  	v59 =	vpop (erf)  }
0x2ab: {  	v14 =	vadd.f32 v59, v14  }
0x2ac: {  	v60 =	vpop (erf)  }
0x2ad: {  	v14 =	vadd.f32 v60, v14  }
0x2ae: {  	v61 =	vpop (erf)  }
0x2af: {  	v14 =	vadd.f32 v61, v14;
	_ =	sdelay $0x1  }
0x2b0: {  	(erf) = vrcp.f32 v14;
	_ =	sdelay $0x8  }
0x2b1: {  	v14 =	vpop (erf)  }
0x2b2: {  	v12 =	vmul.f32 v14, v53  }
0x2b3: {  	s23 =	simm.s32 $0x3E00;
	v13 =	vmul.f32 v14, v54  }
0x2b4: {  	v15 =	vmul.f32 v14, v56;
	[tilespmem:s23+$0xFFFFF000] =	vst v12  }
0x2b5: {  	v62 =	vmul.f32 v14, v57;
	[tilespmem:s23+$0xFFFFF080] =	vst v13  }
0x2b6: {  	v9 =	vmul.f32 v14, v9;
	[tilespmem:s23+$0xFFFFF100] =	vst v15  }
0x2b7: {  	v11 =	vmul.f32 v14, v11;
	[tilespmem:s23+$0xFFFFF180] =	vst v62  }
0x2b8: {  	v8 =	vmul.f32 v14, v8;
	[tilespmem:s23+$0xFFFFF200] =	vst v9  }
0x2b9: {  	v10 =	vmul.f32 v14, v10;
	[tilespmem:s23+$0xFFFFF280] =	vst v11  }
0x2ba: {  	v63 =	vmul.f32 v14, v6;
	v6 =	vmul.f32 v14, v60;
	[tilespmem:s23+$0xFFFFF300] =	vst v8  }
0x2bb: {  	v11 =	vmul.f32 v14, v5;
	v9 =	vmul.f32 v14, v7;
	[tilespmem:s23+$0xFFFFF380] =	vst v10  }
0x2bc: {  	s31 =	simm.s32 $0x10;
	v7 =	vmul.f32 v14, v4;
	v8 =	vmul.f32 v14, v58;
	[tilespmem:s23+$0x80] =	vst v63  }
0x2bd: {  	s24 =	simm.s32 $0x20;
	v5 =	vmul.f32 v14, v59;
	v4 =	vmul.f32 v14, v61;
	v10 =	vmov s31;
	[tilespmem:s23+$0x0] =	vst v11  }
.LBB2_8:
0x2be: {  	p0 =	sne.s32 s24, $0x70;
	v10 =	vshll.u32 v10, $0x4;
	[tilespmem:s23+$0x100] =	vst v9  }
0x2bf: {  	v9 =	vor.u32 v3, v10;
	[tilespmem:s23+$0x180] =	vst v7  }
0x2c0: {  	v7 =	vor.u32 $0x1, v9;
	[tilespmem:s23+$0x200] =	vst v8  }
0x2c1: {  	v8 =	vor.u32 $0x2, v9;
	[tilespmem:s23+$0x280] =	vst v5  }
0x2c2: {  	v5 =	vor.u32 $0x3, v9;
	[tilespmem:s23+$0x300] =	vst v6  }
0x2c3: {  	v6 =	vor.u32 $0x4, v9;
	[tilespmem:s23+$0x380] =	vst v4  }
0x2c4: {  	v10 =	vor.u32 $0x5, v9;
	v4 =	vld.idx.msk [tilespmem:v9+s10+$0x0], $0xffff  }
0x2c5: {  	v11 =	vor.u32 $0x6, v9;
	v7 =	vld.idx.msk [tilespmem:v7+s10+$0x0], $0xffff  }
0x2c6: {  	v12 =	vor.u32 $0x7, v9;
	v8 =	vld.idx.msk [tilespmem:v8+s10+$0x0], $0xffff  }
0x2c7: {  	v13 =	vor.u32 $0x8, v9;
	v5 =	vld.idx.msk [tilespmem:v5+s10+$0x0], $0xffff  }
0x2c8: {  	v14 =	vor.u32 $0x9, v9;
	v6 =	vld.idx.msk [tilespmem:v6+s10+$0x0], $0xffff  }
0x2c9: {  	v15 =	vor.u32 $0xA, v9;
	v10 =	vld.idx.msk [tilespmem:v10+s10+$0x0], $0xffff  }
0x2ca: {  	v16 =	vor.u32 $0xB, v9;
	v4 =	vmul.f32 $1.442695020e+00, v4;
	v11 =	vld.idx.msk [tilespmem:v11+s10+$0x0], $0xffff  }
0x2cb: {  	v17 =	vor.u32 $0xC, v9;
	v7 =	vmul.f32 $1.442695020e+00, v7;
	v12 =	vld.idx.msk [tilespmem:v12+s10+$0x0], $0xffff  }
0x2cc: {  	v18 =	vor.u32 $0xD, v9;
	v13 =	vld.idx.msk [tilespmem:v13+s10+$0x0], $0xffff;
	(erf) = vpow2.f32 v4  }
0x2cd: {  	v4 =	vmul.f32 $1.442695020e+00, v8;
	v8 =	vld.idx.msk [tilespmem:v14+s10+$0x0], $0xffff;
	v14 =	vor.u32 $0xE, v9;
	(erf) = vpow2.f32 v7  }
0x2ce: {  	v9 =	vor.u32 $0xF, v9;
	v7 =	vld.idx.msk [tilespmem:v15+s10+$0x0], $0xffff  }
0x2cf: {  	v5 =	vmul.f32 $1.442695020e+00, v5;
	v15 =	vld.idx.msk [tilespmem:v16+s10+$0x0], $0xffff;
	(erf) = vpow2.f32 v4  }
0x2d0: {  	v4 =	vld.idx.msk [tilespmem:v17+s10+$0x0], $0xffff  }
0x2d1: {  	v6 =	vmul.f32 $1.442695020e+00, v6;
	v16 =	vld.idx.msk [tilespmem:v18+s10+$0x0], $0xffff;
	(erf) = vpow2.f32 v5  }
0x2d2: {  	v5 =	vld.idx.msk [tilespmem:v14+s10+$0x0], $0xffff  }
0x2d3: {  	v14 =	vmul.f32 $1.442695020e+00, v10;
	v9 =	vld.idx.msk [tilespmem:v9+s10+$0x0], $0xffff;
	(erf) = vpow2.f32 v6;
	_ =	sdelay $0x1  }
0x2d4: {  	v17 =	vmul.f32 $1.442695020e+00, v11;
	v11 =	vpop (erf);
	(erf) = vpow2.f32 v14  }
0x2d5: {  	v10 =	vpop (erf)  }
0x2d6: {  	v18 =	vmul.f32 $1.442695020e+00, v12;
	v14 =	vadd.f32 v10, v11;
	(erf) = vpow2.f32 v17  }
0x2d7: {  	v6 =	vpop (erf)  }
0x2d8: {  	v17 =	vmul.f32 $1.442695020e+00, v13;
	v14 =	vadd.f32 v6, v14;
	(erf) = vpow2.f32 v18  }
0x2d9: {  	v12 =	vpop (erf)  }
0x2da: {  	v18 =	vmul.f32 $1.442695020e+00, v8;
	v14 =	vadd.f32 v12, v14;
	(erf) = vpow2.f32 v17  }
0x2db: {  	v13 =	vpop (erf)  }
0x2dc: {  	v17 =	vmul.f32 $1.442695020e+00, v7;
	v14 =	vadd.f32 v13, v14;
	(erf) = vpow2.f32 v18  }
0x2dd: {  	v8 =	vpop (erf)  }
0x2de: {  	v18 =	vmul.f32 $1.442695020e+00, v15;
	v14 =	vadd.f32 v8, v14;
	(erf) = vpow2.f32 v17  }
0x2df: {  	v7 =	vpop (erf)  }
0x2e0: {  	v17 =	vmul.f32 $1.442695020e+00, v4;
	v14 =	vadd.f32 v7, v14;
	(erf) = vpow2.f32 v18  }
0x2e1: {  	v15 =	vpop (erf)  }
0x2e2: {  	v18 =	vmul.f32 $1.442695020e+00, v16;
	v14 =	vadd.f32 v15, v14;
	(erf) = vpow2.f32 v17  }
0x2e3: {  	v4 =	vpop (erf)  }
0x2e4: {  	v17 =	vmul.f32 $1.442695020e+00, v5;
	v14 =	vadd.f32 v4, v14;
	(erf) = vpow2.f32 v18  }
0x2e5: {  	v16 =	vpop (erf)  }
0x2e6: {  	v9 =	vmul.f32 $1.442695020e+00, v9;
	v14 =	vadd.f32 v16, v14;
	(erf) = vpow2.f32 v17  }
0x2e7: {  	v5 =	vpop (erf)  }
0x2e8: {  	v18 =	vadd.f32 v5, v14;
	(erf) = vpow2.f32 v9  }
0x2e9: {  	v17 =	vpop (erf)  }
0x2ea: {  	v9 =	vadd.f32 v17, v18  }
0x2eb: {  	v14 =	vpop (erf)  }
0x2ec: {  	v9 =	vadd.f32 v14, v9  }
0x2ed: {  	v18 =	vpop (erf)  }
0x2ee: {  	v9 =	vadd.f32 v18, v9  }
0x2ef: {  	v19 =	vpop (erf)  }
0x2f0: {  	v9 =	vadd.f32 v19, v9  }
0x2f1: {  	v20 =	vpop (erf)  }
0x2f2: {  	v9 =	vadd.f32 v20, v9;
	_ =	sdelay $0x1  }
0x2f3: {  	(erf) = vrcp.f32 v9;
	_ =	sdelay $0x8  }
0x2f4: {  	v21 =	vpop (erf)  }
0x2f5: {  	v9 =	vmul.f32 v21, v11;
	v10 =	vmul.f32 v21, v10  }
0x2f6: {  	s23 =	sadd.s32 $0x10, s23;
	v6 =	vmul.f32 v21, v6;
	v11 =	vmul.f32 v21, v12  }
0x2f7: {  	v12 =	vmul.f32 v21, v13;
	v13 =	vmul.f32 v21, v8;
	[tilespmem:s23+$0xFFFFF000] =	vst v9  }
0x2f8: {  	v15 =	vmul.f32 v21, v15;
	[tilespmem:s23+$0xFFFFF080] =	vst v10;
	v10 =	vmul.f32 v21, v7  }
0x2f9: {  	v22 =	vmul.f32 v21, v4;
	v16 =	vmul.f32 v21, v16;
	[tilespmem:s23+$0xFFFFF100] =	vst v6  }
0x2fa: {  	v9 =	vmul.f32 v21, v5;
	v7 =	vmul.f32 v21, v17;
	[tilespmem:s23+$0xFFFFF180] =	vst v11  }
0x2fb: {  	v8 =	vmul.f32 v21, v14;
	v5 =	vmul.f32 v21, v18;
	[tilespmem:s23+$0xFFFFF200] =	vst v12  }
.Ltmp3:
0x2fc: {  	v4 =	vmul.f32 v21, v20;
	v6 =	vmul.f32 v21, v19;
	[tilespmem:s23+$0xFFFFF280] =	vst v13;
	(pc) =	sbr.rel @p0 .LBB2_8-.Ltmp3, $4  }
0x2fd: {  	[tilespmem:s23+$0xFFFFF300] =	vst v10  }
0x2fe: {  	[tilespmem:s23+$0xFFFFF380] =	vst v15  }
0x2ff: {  	[tilespmem:s23+$0x0] =	vst v22  }
0x300: {  	v10 =	vmov s24;
	s24 =	sadd.s32 $0x10, s24;
	[tilespmem:s23+$0x80] =	vst v16  }
0x301: {  	v10 =	vshll.u32 v10, $0x4;
	[tilespmem:s23+$0x100] =	vst v9  }
0x302: {  	[tilespmem:s23+$0x180] =	vst v7;
	v42 =	vor.u32 v3, v10  }
0x303: {  	[tilespmem:s23+$0x200] =	vst v8;
	v43 =	vor.u32 $0x1, v42  }
0x304: {  	[tilespmem:s23+$0x280] =	vst v5  }
0x305: {  	[tilespmem:s23+$0x300] =	vst v6;
	v5 =	vor.u32 $0x2, v42  }
0x306: {  	[tilespmem:s23+$0x380] =	vst v4  }
0x307: {  	v4 =	vor.u32 $0x3, v42;
	v6 =	vld.idx.msk [tilespmem:v42+s10+$0x0], $0xffff  }
0x308: {  	v7 =	vld.idx.msk [tilespmem:v43+s10+$0x0], $0xffff  }
0x309: {  	v44 =	vor.u32 $0x4, v42  }
0x30a: {  	v5 =	vld.idx.msk [tilespmem:v5+s10+$0x0], $0xffff  }
0x30b: {  	v10 =	vor.u32 $0x5, v42  }
0x30c: {  	v4 =	vld.idx.msk [tilespmem:v4+s10+$0x0], $0xffff;
	v6 =	vmul.f32 $1.442695020e+00, v6  }
0x30d: {  	v11 =	vor.u32 $0x6, v42;
	v7 =	vmul.f32 $1.442695020e+00, v7  }
0x30e: {  	v8 =	vld.idx.msk [tilespmem:v44+s10+$0x0], $0xffff;
	(erf) = vpow2.f32 v6  }
0x30f: {  	v45 =	vor.u32 $0x7, v42;
	v5 =	vmul.f32 $1.442695020e+00, v5;
	(erf) = vpow2.f32 v7  }
0x310: {  	v46 =	vld.idx.msk [tilespmem:v10+s10+$0x0], $0xffff  }
0x311: {  	v47 =	vor.u32 $0x8, v42;
	v4 =	vmul.f32 $1.442695020e+00, v4;
	(erf) = vpow2.f32 v5  }
0x312: {  	v5 =	vld.idx.msk [tilespmem:v11+s10+$0x0], $0xffff  }
0x313: {  	v48 =	vor.u32 $0x9, v42;
	v8 =	vmul.f32 $1.442695020e+00, v8;
	(erf) = vpow2.f32 v4  }
0x314: {  	v4 =	vld.idx.msk [tilespmem:v45+s10+$0x0], $0xffff  }
0x315: {  	v49 =	vor.u32 $0xA, v42;
	v7 =	vmul.f32 $1.442695020e+00, v46;
	(erf) = vpow2.f32 v8  }
0x316: {  	v50 =	vld.idx.msk [tilespmem:v47+s10+$0x0], $0xffff  }
0x317: {  	v51 =	vor.u32 $0xB, v42;
	v5 =	vmul.f32 $1.442695020e+00, v5;
	v12 =	vpop (erf);
	(erf) = vpow2.f32 v7  }
0x318: {  	v52 =	vor.u32 $0xC, v42;
	v11 =	vld.idx.msk [tilespmem:v48+s10+$0x0], $0xffff;
	v13 =	vpop (erf)  }
0x319: {  	v4 =	vmul.f32 $1.442695020e+00, v4;
	(erf) = vpow2.f32 v5;
	v14 =	vadd.f32 v13, v12  }
0x31a: {  	v6 =	vld.idx.msk [tilespmem:v49+s10+$0x0], $0xffff;
	v5 =	vor.u32 $0xD, v42;
	v15 =	vpop (erf)  }
0x31b: {  	v8 =	vmul.f32 $1.442695020e+00, v50;
	(erf) = vpow2.f32 v4;
	v14 =	vadd.f32 v15, v14  }
0x31c: {  	v10 =	vld.idx.msk [tilespmem:v51+s10+$0x0], $0xffff;
	v4 =	vor.u32 $0xE, v42;
	v16 =	vpop (erf)  }
0x31d: {  	v11 =	vmul.f32 $1.442695020e+00, v11;
	(erf) = vpow2.f32 v8;
	v14 =	vadd.f32 v16, v14  }
0x31e: {  	v53 =	vor.u32 $0xF, v42;
	v7 =	vld.idx.msk [tilespmem:v52+s10+$0x0], $0xffff;
	v54 =	vpop (erf)  }
0x31f: {  	v6 =	vmul.f32 $1.442695020e+00, v6;
	(erf) = vpow2.f32 v11;
	v5 =	vld.idx.msk [tilespmem:v5+s10+$0x0], $0xffff;
	v14 =	vadd.f32 v54, v14  }
0x320: {  	v55 =	vpop (erf)  }
0x321: {  	v10 =	vmul.f32 $1.442695020e+00, v10;
	v4 =	vld.idx.msk [tilespmem:v4+s10+$0x0], $0xffff;
	(erf) = vpow2.f32 v6;
	v14 =	vadd.f32 v55, v14  }
0x322: {  	v56 =	vpop (erf)  }
0x323: {  	v7 =	vmul.f32 $1.442695020e+00, v7;
	(erf) = vpow2.f32 v10;
	v14 =	vadd.f32 v56, v14  }
0x324: {  	v8 =	vld.idx.msk [tilespmem:v53+s10+$0x0], $0xffff;
	v57 =	vpop (erf);
	v5 =	vmul.f32 $1.442695020e+00, v5  }
0x325: {  	(erf) = vpow2.f32 v7;
	v14 =	vadd.f32 v57, v14  }
0x326: {  	v58 =	vpop (erf);
	v4 =	vmul.f32 $1.442695020e+00, v4  }
0x327: {  	(erf) = vpow2.f32 v5;
	v14 =	vadd.f32 v58, v14  }
0x328: {  	v5 =	vpop (erf)  }
0x329: {  	v8 =	vmul.f32 $1.442695020e+00, v8;
	(erf) = vpow2.f32 v4;
	v14 =	vadd.f32 v5, v14  }
0x32a: {  	v4 =	vpop (erf)  }
0x32b: {  	(erf) = vpow2.f32 v8;
	v14 =	vadd.f32 v4, v14  }
0x32c: {  	v59 =	vpop (erf)  }
0x32d: {  	v14 =	vadd.f32 v59, v14  }
0x32e: {  	v17 =	vpop (erf)  }
0x32f: {  	v14 =	vadd.f32 v17, v14  }
0x330: {  	v18 =	vpop (erf)  }
0x331: {  	v14 =	vadd.f32 v18, v14  }
0x332: {  	v19 =	vpop (erf)  }
0x333: {  	v14 =	vadd.f32 v19, v14  }
0x334: {  	v20 =	vpop (erf)  }
0x335: {  	v14 =	vadd.f32 v20, v14;
	_ =	sdelay $0x1  }
0x336: {  	(erf) = vrcp.f32 v14;
	_ =	sdelay $0x8  }
0x337: {  	v14 =	vpop (erf)  }
0x338: {  	v12 =	vmul.f32 v14, v12  }
0x339: {  	s31 =	sadd.s32 $0x10, s23;
	v13 =	vmul.f32 v14, v13  }
0x33a: {  	v15 =	vmul.f32 v14, v15;
	[tilespmem:s31+$0xFFFFF000] =	vst v12  }
0x33b: {  	v60 =	vmul.f32 v14, v16;
	[tilespmem:s31+$0xFFFFF080] =	vst v13  }
0x33c: {  	v9 =	vmul.f32 v14, v54;
	[tilespmem:s31+$0xFFFFF100] =	vst v15  }
0x33d: {  	v11 =	vmul.f32 v14, v55;
	[tilespmem:s31+$0xFFFFF180] =	vst v60  }
0x33e: {  	v6 =	vmul.f32 v14, v56;
	[tilespmem:s31+$0xFFFFF200] =	vst v9  }
0x33f: {  	v61 =	vmul.f32 v14, v57;
	[tilespmem:s31+$0xFFFFF280] =	vst v11  }
0x340: {  	v7 =	vmul.f32 v14, v58;
	[tilespmem:s31+$0xFFFFF300] =	vst v6  }
0x341: {  	v5 =	vmul.f32 v14, v5;
	[tilespmem:s31+$0xFFFFF380] =	vst v61  }
0x342: {  	v4 =	vmul.f32 v14, v4;
	[tilespmem:s31+$0x0] =	vst v7  }
0x343: {  	v62 =	vmul.f32 v14, v59;
	[tilespmem:s31+$0x80] =	vst v5  }
0x344: {  	v63 =	vmul.f32 v14, v19;
	[tilespmem:s31+$0x100] =	vst v4  }
0x345: {  	v5 =	vmul.f32 v14, v17;
	[tilespmem:s31+$0x180] =	vst v62  }
0x346: {  	v4 =	vmul.f32 v14, v18;
	[tilespmem:s31+$0x300] =	vst v63  }
0x347: {  	[tilespmem:s31+$0x200] =	vst v5;
	v5 =	vmul.f32 v14, v20  }
0x348: {  	[tilespmem:s31+$0x280] =	vst v4  }
0x349: {  	[tilespmem:s31+$0x380] =	vst v5  }
0x34a: {  	[hbm4b:s4+s3] =	stream.linear.scatter [tilespmem:s20], [sflag:$0x5], $0x1000, $0x38;
	[tilespmem:$0x4200] =	vst v63  }
0x34b: {  	s22 =	sadd.s32 $0x1, s22;
	_ =	swait.ge [sflag:s8], $0x1000  }
0x34c: {  	p0 =	sne.s32 s22, s7;
	[sflag:s8] =	ssyncset.done $0x0  }
.Ltmp4:
0x34d: {  	[sflag:s8] =	ssyncadd.s32 $0xFFFFF000;
	(pc) =	sbr.rel @p0 .LBB2_1-.Ltmp4, $4  }
0x34e: {  	[hbm4b:s6+s3] =	stream.linear.scatter [tilespmem:s21], [sflag:$0x5], $0x1000, $0x38;
	[tilespmem:$0x4200] =	vst v63  }
0x34f: {  	_ =	swait.ge [sflag:s8], $0x1000  }
0x350: {  	[sflag:s8] =	ssyncset.done $0x0  }
0x351: {  	[sflag:s8] =	ssyncadd.s32 $0xFFFFF000  }
0x352: {  	_ =	sfence.sel $0x180000  }
0x353: {  	[bflag:$0x0] =	sbarrier.arrive $0xFFFF  }
0x354: {  	p0 =	sne.s32 s2, $0x0;
	_ =	strace $0x90000047  }
0x355: {  	s0 =	sadd.s32 @!p0 $0x100000, s0;
	[bflag:$0x2] =	sbarrier.arrive $0xFFFF  }
0x356: {  	[sflag:s0] =	ssyncadd.tile.s32 @!p0 $0x1;
	_ =	shalt  }
.Lfunc_end2:
_tile_overlayer_lowered:
.L_overlay_start_2:
0x357: {  	(tag) =	ssettag $0x2  }
0x358: {  	s0 =	rddreg [dreg:$0x0];
	s2 =	stileid.u32  }
0x359: {  	s1 =	rddreg [dreg:$0x1];
	p0 =	sne.s32 s2, $0x0  }
0x35a: {  	s3 =	rddreg [dreg:$0x2];
	[bflag:$0x3] =	sbarrier.arrive $0xFFFF;
	s2 =	simm.s32 @!p0 $0x1C05  }
0x35b: {  	[timem:s3], [sflag:s2] =	dma.local @!p0 [hbm:s0], s1  }
0x35c: {  	s0 =	simm.s32 @!p0 $0x5  }
0x35d: {  	_ =	swait.ge @!p0 [sflag:s0], s1  }
0x35e: {  	s1 =	ssub.s32 @!p0 $0x0, s1;
	[sflag:s0] =	ssyncset.done @!p0 $0x0  }
0x35f: {  	[sflag:s0] =	ssyncadd.s32 @!p0 s1  }
0x360: {  	[bflag:$0x3] =	sbarrier.arrive $0xFFFF  }
0x361: {  	_ =	shalt  }

</sc_bundles>
